<compile_context>
chip_gen: v7x
topology: tpu7x:2x2x1
jax: 0.10.2.dev20260603
libtpu: 0.0.44.dev20260713+nightly
codegen_flags: <defaults>
</compile_context>

<pallas_src>
import functools

import jax
import jax.numpy as jnp
from jax.experimental import pallas as pl
from jax.experimental.pallas import tpu as pltpu
from jax.experimental.pallas import tpu_sc as plsc

_CUTOFF2 = 25.0
_K = 64
_N = 1024
_R = 128
_BIGI = 1 << 30

_NW = 32
_EPW = (_N * _K) // _NW
_CH = _EPW // 16


def _rne_bf16(x):
    u = jax.lax.bitcast_convert_type(x, jnp.uint32)
    lsb = (u >> 16) & jnp.uint32(1)
    r = u + jnp.uint32(0x7FFF) + lsb
    return jax.lax.bitcast_convert_type(r & jnp.uint32(0xFFFF0000), jnp.float32)


def _tc_body(posT_full, batch_full, box_smem, posT_rows, batch_rows, src_ref):
    b = pl.program_id(0)
    inf = jnp.float32(jnp.inf)

    y2_t = []
    dot_t = []
    icode = []
    for d in range(3):
        pj = posT_full[d, :].reshape(1, _N)
        pi = posT_rows[d, :].reshape(_R, 1)
        boxd = box_smem[0, d]
        delta = pi - pj
        s = jnp.round(delta / boxd)
        q = pj + s * boxd
        y2_t.append(q * q)
        a = _rne_bf16(jnp.broadcast_to(pi, (_R, _N)))
        bq = _rne_bf16(q)
        dot_t.append(a * bq)
        icode.append(jnp.where(s == 0.0, 0, jnp.where(s < 0.0, 1, 2)).astype(jnp.int32))
    y2 = (y2_t[0] + y2_t[1]) + y2_t[2]
    dot = (dot_t[1] + dot_t[2]) + dot_t[0]

    pi0 = posT_rows[0, :].reshape(_R, 1)
    pi1 = posT_rows[1, :].reshape(_R, 1)
    pi2 = posT_rows[2, :].reshape(_R, 1)
    x2 = (pi0 * pi0 + pi2 * pi2) + pi1 * pi1

    d2 = x2 + y2 - 2.0 * dot
    d2 = jnp.maximum(d2, 0.0)

    bi = batch_rows[0, :].reshape(_R, 1)
    bj = batch_full[0, :].reshape(1, _N)
    mask = (d2 <= _CUTOFF2) & (bi == bj)
    keys0 = jnp.where(mask, d2, inf)

    jota = jax.lax.broadcasted_iota(jnp.int32, (_R, _N), 1)
    gidx = ((icode[0] * 3 + icode[1]) * 3 + icode[2]) * _N + jota
    tcols = jax.lax.broadcasted_iota(jnp.int32, (_R, _K), 1)

    cnt = jnp.sum(mask.astype(jnp.int32), axis=1)
    trips = jnp.minimum(jnp.max(cnt), _K)

    def round_t(t, carry):
        keys, a_src, a_key = carry
        m = jnp.min(keys, axis=1, keepdims=True)
        sel = keys == m
        gstar = jnp.min(jnp.where(sel, gidx, _BIGI), axis=1, keepdims=True)
        onehot = gidx == gstar
        jstar = gstar & (_N - 1)
        keys = jnp.where(onehot, inf, keys)
        at_t = tcols == t
        a_src = jnp.where(at_t, jstar, a_src)
        a_key = jnp.where(at_t, m, a_key)
        return keys, a_src, a_key

    carry0 = (keys0,
              jnp.zeros((_R, _K), jnp.int32),
              jnp.full((_R, _K), inf, jnp.float32))
    _, a_src, a_key = jax.lax.fori_loop(0, trips, round_t, carry0)

    row_id = b * _R + jax.lax.broadcasted_iota(jnp.int32, (_R, _K), 0)
    valid = a_key < inf
    src_ref[...] = jnp.where(valid, a_src, row_id)


def _sc_body(px_hbm, py_hbm, pz_hbm, src_hbm, dst_hbm, pdx_hbm, pdy_hbm, pdz_hbm,
             vx_hbm, vy_hbm, vz_hbm, wt_hbm,
             idxs, dsts, gx, gy, gz, hx, hy, hz, ovx, ovy, ovz, owt, sem):
    c = jax.lax.axis_index("c")
    s = jax.lax.axis_index("s")
    wid = s * 2 + c
    base = wid * _EPW
    pltpu.sync_copy(src_hbm.at[pl.ds(base, _EPW)], idxs)
    pltpu.sync_copy(dst_hbm.at[pl.ds(base, _EPW)], dsts)
    pltpu.sync_copy(pdx_hbm.at[pl.ds(base, _EPW)], hx)
    pltpu.sync_copy(pdy_hbm.at[pl.ds(base, _EPW)], hy)
    pltpu.sync_copy(pdz_hbm.at[pl.ds(base, _EPW)], hz)

    for k in range(_EPW // 128):
        isl = pl.ds(k * 128, 128)
        cps = [
            pltpu.async_copy(px_hbm.at[idxs.at[isl]], gx.at[isl], sem),
            pltpu.async_copy(py_hbm.at[idxs.at[isl]], gy.at[isl], sem),
            pltpu.async_copy(pz_hbm.at[idxs.at[isl]], gz.at[isl], sem),
        ]
        for cp in cps:
            cp.wait()

    def chunk(i, carry):
        sl = pl.ds(i * 16, 16)
        isrc = idxs[sl]
        idst = dsts[sl]
        dx = gx[sl] - hx[sl]
        dy = gy[sl] - hy[sl]
        dz = gz[sl] - hz[sl]
        nonself = isrc != idst
        sq = (dx * dx + dz * dz) + dy * dy
        s_eff = jnp.where(nonself, sq, jnp.float32(1.0))
        sb = jax.lax.bitcast_convert_type(s_eff, jnp.int32)
        x = jax.lax.bitcast_convert_type((sb >> 1) + jnp.int32(0x1FBD1DF5), jnp.float32)
        for _ in range(4):
            x = 0.5 * (x + s_eff / x)
        wt = jnp.where(nonself, x, jnp.float32(0.0))
        ovx[sl] = dx
        ovy[sl] = dy
        ovz[sl] = dz
        owt[sl] = wt
        return carry

    jax.lax.fori_loop(0, _CH, chunk, 0)

    pltpu.sync_copy(ovx, vx_hbm.at[pl.ds(base, _EPW)])
    pltpu.sync_copy(ovy, vy_hbm.at[pl.ds(base, _EPW)])
    pltpu.sync_copy(ovz, vz_hbm.at[pl.ds(base, _EPW)])
    pltpu.sync_copy(owt, wt_hbm.at[pl.ds(base, _EPW)])


@jax.jit
def kernel(pos, batch, box):
    n = pos.shape[0]
    posT = pos.T
    batch2 = batch.reshape(1, n)
    box2 = box.reshape(1, 3)

    grid = (n // _R,)
    src = pl.pallas_call(
        _tc_body,
        grid=grid,
        in_specs=[
            pl.BlockSpec((3, n), lambda b: (0, 0)),
            pl.BlockSpec((1, n), lambda b: (0, 0)),
            pl.BlockSpec(memory_space=pltpu.SMEM),
            pl.BlockSpec((3, _R), lambda b: (0, b)),
            pl.BlockSpec((1, _R), lambda b: (0, b)),
        ],
        out_specs=pl.BlockSpec((_R, _K), lambda b: (b, 0)),
        out_shape=jax.ShapeDtypeStruct((n, _K), jnp.int32),
    )(posT, batch2, box2, posT, batch2)

    src_flat = src.reshape(-1)
    px = posT[0]
    py = posT[1]
    pz = posT[2]
    col = jnp.broadcast_to(jnp.arange(n, dtype=jnp.int32)[:, None], (n, _K)).reshape(-1)
    pdx = jnp.broadcast_to(px[:, None], (n, _K)).reshape(-1)
    pdy = jnp.broadcast_to(py[:, None], (n, _K)).reshape(-1)
    pdz = jnp.broadcast_to(pz[:, None], (n, _K)).reshape(-1)

    mesh = plsc.VectorSubcoreMesh(core_axis_name="c", subcore_axis_name="s")
    sc = functools.partial(
        pl.kernel,
        mesh=mesh,
        out_type=[jax.ShapeDtypeStruct((n * _K,), jnp.float32)] * 4,
        scratch_types=(
            [pltpu.VMEM((_EPW,), jnp.int32)] * 2
            + [pltpu.VMEM((_EPW,), jnp.float32)] * 10
            + [pltpu.SemaphoreType.DMA]
        ),
    )(_sc_body)
    vx, vy, vz, wt = sc(px, py, pz, src_flat, col, pdx, pdy, pdz)

    edge_index = jnp.stack([src_flat, col])
    edge_vec = jnp.stack([vx, vy, vz], axis=-1)
    return edge_index, wt, edge_vec

# --- scband reference (transcript-rebuilt; emitter-appended) ---
"""Pipeline reference for scband-distance-24524263260583 (READ-ONLY COPY).

The authoritative reference and input builder live on the scoring server;
editing this copy changes nothing except your own understanding.
"""

import jax, jax.numpy as jnp
import numpy as np

CUTOFF = 5.0
MAX_NUM_NEIGHBORS = 64
ADD_SELF_LOOPS = True
N_ATOMS = 1024
N_SYSTEMS = 4
BOX = np.array([20.0, 20.0, 20.0], dtype=np.float32)


def _image_shifts():
    vals = [0.0, -1.0, 1.0]
    s = [(a, b, c) for a in vals for b in vals for c in vals]
    return jnp.asarray(np.array(s, dtype=np.float32))  # identity shift (0,0,0) is first


def setup_inputs(seed: int = 0):
    key = jax.random.key(seed)
    k1, k2 = jax.random.split(key)
    pos = jax.random.uniform(k1, (N_ATOMS, 3), dtype=jnp.float32) * jnp.asarray(BOX)
    batch = jnp.sort(jax.random.randint(k2, (N_ATOMS,), 0, N_SYSTEMS)).astype(jnp.int32)
    box = jnp.asarray(BOX)
    return {"pos": pos, "batch": batch, "box": box}


def _distance_forward(pos, batch, box):
    n = pos.shape[0]
    shifts = _image_shifts()
    n_img = shifts.shape[0]
    # get_periodic_images_within: replicate atoms under all 27 periodic shifts
    pos_images = (pos[None, :, :] + shifts[:, None, :] * box[None, None, :]).reshape(n_img * n, 3)
    id_mapping = jnp.tile(jnp.arange(n), n_img)
    periodic_batch = jnp.tile(batch, n_img)
    # radius_graph: brute-force pairwise squared distances (query = original atoms)
    x2 = jnp.sum(pos * pos, axis=1)
    y2 = jnp.sum(pos_images * pos_images, axis=1)
    d2 = x2[:, None] + y2[None, :] - 2.0 * (pos @ pos_images.T)
    d2 = jnp.maximum(d2, 0.0)
    mask = (d2 <= CUTOFF * CUTOFF) & (batch[:, None] == periodic_batch[None, :])
    if not ADD_SELF_LOOPS:
        self_mask = jnp.arange(n)[:, None] == jnp.arange(n_img * n)[None, :]
        mask = mask & (~self_mask)
    masked = jnp.where(mask, jax.lax.stop_gradient(d2), jnp.inf)
    neg_vals, idx = jax.lax.top_k(-masked, MAX_NUM_NEIGHBORS)
    valid = neg_vals > -jnp.inf
    dst = jnp.broadcast_to(jnp.arange(n)[:, None], idx.shape)
    # map periodic-image indices back to original atom ids; pad invalid slots as self edges
    src = jnp.where(valid, id_mapping[idx], dst)
    row = src.reshape(-1)
    col = dst.reshape(-1)
    edge_index = jnp.stack([row, col])
    edge_vec = pos[row] - pos[col]
    valid_flat = valid.reshape(-1)
    edge_vec = edge_vec * valid_flat[:, None].astype(pos.dtype)
    # add_self_loops branch: zero weight on self loops, safe norm elsewhere
    nonself = (row != col) & valid_flat
    sq = jnp.sum(edge_vec * edge_vec, axis=-1)
    w = jnp.sqrt(jnp.where(nonself, sq, 1.0))
    edge_weight = jnp.where(nonself, w, 0.0)
    return edge_index, edge_weight, edge_vec


def reference(pos, batch, box):
    return _distance_forward(pos, batch, box)

if __name__ == "__main__":
    import jax
    _d = setup_inputs()
    print(jax.jit(kernel)(*tuple(_d.values())))

</pallas_src>

<mosaic_0001>
#map = affine_map<(d0, d1) -> (0)>
module attributes {stable_mosaic.version = 14 : i64} {
  func.func @_sc_body(%arg0: i32, %arg1: i32, %arg2: memref<1024xf32, #tpu.memory_space<hbm>>, %arg3: memref<1024xf32, #tpu.memory_space<hbm>>, %arg4: memref<1024xf32, #tpu.memory_space<hbm>>, %arg5: memref<65536xi32, #tpu.memory_space<hbm>>, %arg6: memref<65536xi32, #tpu.memory_space<hbm>>, %arg7: memref<65536xf32, #tpu.memory_space<hbm>>, %arg8: memref<65536xf32, #tpu.memory_space<hbm>>, %arg9: memref<65536xf32, #tpu.memory_space<hbm>>, %arg10: memref<65536xf32, #tpu.memory_space<hbm>>, %arg11: memref<65536xf32, #tpu.memory_space<hbm>>, %arg12: memref<65536xf32, #tpu.memory_space<hbm>>, %arg13: memref<65536xf32, #tpu.memory_space<hbm>>, %arg14: memref<2048xi32, #tpu.memory_space<vmem>>, %arg15: memref<2048xi32, #tpu.memory_space<vmem>>, %arg16: memref<2048xf32, #tpu.memory_space<vmem>>, %arg17: memref<2048xf32, #tpu.memory_space<vmem>>, %arg18: memref<2048xf32, #tpu.memory_space<vmem>>, %arg19: memref<2048xf32, #tpu.memory_space<vmem>>, %arg20: memref<2048xf32, #tpu.memory_space<vmem>>, %arg21: memref<2048xf32, #tpu.memory_space<vmem>>, %arg22: memref<2048xf32, #tpu.memory_space<vmem>>, %arg23: memref<2048xf32, #tpu.memory_space<vmem>>, %arg24: memref<2048xf32, #tpu.memory_space<vmem>>, %arg25: memref<2048xf32, #tpu.memory_space<vmem>>, %arg26: memref<!tpu.dma_semaphore, #tpu.memory_space<semaphore_mem>>) attributes {dimension_semantics = [#tpu.dimension_semantics<core_parallel>, #tpu.dimension_semantics<subcore_parallel>], iteration_bounds = array<i64: 2, 16>, scalar_prefetch = 0 : i64, scratch_operands = 13 : i64, tpu.core_type = #tpu.core_type<sc_vector_subcore>, window_params = [{transform_indices = #map}, {transform_indices = #map}, {transform_indices = #map}, {transform_indices = #map}, {transform_indices = #map}, {transform_indices = #map}, {transform_indices = #map}, {transform_indices = #map}, {transform_indices = #map}, {transform_indices = #map}, {transform_indices = #map}, {transform_indices = #map}]} {
    %mul3A = arith.constant 2 : i32
    %mul3A_0 = arith.muli %arg1, %mul3A : i32
    %add3A = arith.addi %mul3A_0, %arg0 : i32
    %mul3A_1 = arith.constant 2048 : i32
    %mul3A_2 = arith.muli %add3A, %mul3A_1 : i32
    "tpu.region"() ({
      %run_scoped3A = tpu.sem_alloc : memref<!tpu.dma_semaphore, #tpu.memory_space<semaphore_mem>>
      %dma_start3A_582 = tpu.memref_slice %arg5[%mul3A_2] : memref<65536xi32, #tpu.memory_space<hbm>> -> memref<2048xi32, #tpu.memory_space<hbm>>
      %dma_start3A_583 = tpu.memref_slice %arg5[%mul3A_2] : memref<65536xi32, #tpu.memory_space<hbm>> -> memref<2048xi32, #tpu.memory_space<hbm>>
      tpu.enqueue_dma source(%dma_start3A_583 : memref<2048xi32, #tpu.memory_space<hbm>>) target(%arg14 : memref<2048xi32, #tpu.memory_space<vmem>>) target_semaphore(%run_scoped3A : memref<!tpu.dma_semaphore, #tpu.memory_space<semaphore_mem>>)
      %dma_wait3A_584 = tpu.memref_slice %arg5[%mul3A_2] : memref<65536xi32, #tpu.memory_space<hbm>> -> memref<2048xi32, #tpu.memory_space<hbm>>
      %dma_wait3A_585 = tpu.memref_slice %arg5[%mul3A_2] : memref<65536xi32, #tpu.memory_space<hbm>> -> memref<2048xi32, #tpu.memory_space<hbm>>
      tpu.wait_dma2 semaphore(%run_scoped3A : memref<!tpu.dma_semaphore, #tpu.memory_space<semaphore_mem>>) src(%dma_wait3A_585 : memref<2048xi32, #tpu.memory_space<hbm>>) dst(%arg14 : memref<2048xi32, #tpu.memory_space<vmem>>)
      tpu.yield
    }) : () -> ()
    "tpu.region"() ({
      %run_scoped3A = tpu.sem_alloc : memref<!tpu.dma_semaphore, #tpu.memory_space<semaphore_mem>>
      %dma_start3A_582 = tpu.memref_slice %arg6[%mul3A_2] : memref<65536xi32, #tpu.memory_space<hbm>> -> memref<2048xi32, #tpu.memory_space<hbm>>
      %dma_start3A_583 = tpu.memref_slice %arg6[%mul3A_2] : memref<65536xi32, #tpu.memory_space<hbm>> -> memref<2048xi32, #tpu.memory_space<hbm>>
      tpu.enqueue_dma source(%dma_start3A_583 : memref<2048xi32, #tpu.memory_space<hbm>>) target(%arg15 : memref<2048xi32, #tpu.memory_space<vmem>>) target_semaphore(%run_scoped3A : memref<!tpu.dma_semaphore, #tpu.memory_space<semaphore_mem>>)
      %dma_wait3A_584 = tpu.memref_slice %arg6[%mul3A_2] : memref<65536xi32, #tpu.memory_space<hbm>> -> memref<2048xi32, #tpu.memory_space<hbm>>
      %dma_wait3A_585 = tpu.memref_slice %arg6[%mul3A_2] : memref<65536xi32, #tpu.memory_space<hbm>> -> memref<2048xi32, #tpu.memory_space<hbm>>
      tpu.wait_dma2 semaphore(%run_scoped3A : memref<!tpu.dma_semaphore, #tpu.memory_space<semaphore_mem>>) src(%dma_wait3A_585 : memref<2048xi32, #tpu.memory_space<hbm>>) dst(%arg15 : memref<2048xi32, #tpu.memory_space<vmem>>)
      tpu.yield
    }) : () -> ()
    "tpu.region"() ({
      %run_scoped3A = tpu.sem_alloc : memref<!tpu.dma_semaphore, #tpu.memory_space<semaphore_mem>>
      %dma_start3A_582 = tpu.memref_slice %arg7[%mul3A_2] : memref<65536xf32, #tpu.memory_space<hbm>> -> memref<2048xf32, #tpu.memory_space<hbm>>
      %dma_start3A_583 = tpu.memref_slice %arg7[%mul3A_2] : memref<65536xf32, #tpu.memory_space<hbm>> -> memref<2048xf32, #tpu.memory_space<hbm>>
      tpu.enqueue_dma source(%dma_start3A_583 : memref<2048xf32, #tpu.memory_space<hbm>>) target(%arg19 : memref<2048xf32, #tpu.memory_space<vmem>>) target_semaphore(%run_scoped3A : memref<!tpu.dma_semaphore, #tpu.memory_space<semaphore_mem>>)
      %dma_wait3A_584 = tpu.memref_slice %arg7[%mul3A_2] : memref<65536xf32, #tpu.memory_space<hbm>> -> memref<2048xf32, #tpu.memory_space<hbm>>
      %dma_wait3A_585 = tpu.memref_slice %arg7[%mul3A_2] : memref<65536xf32, #tpu.memory_space<hbm>> -> memref<2048xf32, #tpu.memory_space<hbm>>
      tpu.wait_dma2 semaphore(%run_scoped3A : memref<!tpu.dma_semaphore, #tpu.memory_space<semaphore_mem>>) src(%dma_wait3A_585 : memref<2048xf32, #tpu.memory_space<hbm>>) dst(%arg19 : memref<2048xf32, #tpu.memory_space<vmem>>)
      tpu.yield
    }) : () -> ()
    "tpu.region"() ({
      %run_scoped3A = tpu.sem_alloc : memref<!tpu.dma_semaphore, #tpu.memory_space<semaphore_mem>>
      %dma_start3A_582 = tpu.memref_slice %arg8[%mul3A_2] : memref<65536xf32, #tpu.memory_space<hbm>> -> memref<2048xf32, #tpu.memory_space<hbm>>
      %dma_start3A_583 = tpu.memref_slice %arg8[%mul3A_2] : memref<65536xf32, #tpu.memory_space<hbm>> -> memref<2048xf32, #tpu.memory_space<hbm>>
      tpu.enqueue_dma source(%dma_start3A_583 : memref<2048xf32, #tpu.memory_space<hbm>>) target(%arg20 : memref<2048xf32, #tpu.memory_space<vmem>>) target_semaphore(%run_scoped3A : memref<!tpu.dma_semaphore, #tpu.memory_space<semaphore_mem>>)
      %dma_wait3A_584 = tpu.memref_slice %arg8[%mul3A_2] : memref<65536xf32, #tpu.memory_space<hbm>> -> memref<2048xf32, #tpu.memory_space<hbm>>
      %dma_wait3A_585 = tpu.memref_slice %arg8[%mul3A_2] : memref<65536xf32, #tpu.memory_space<hbm>> -> memref<2048xf32, #tpu.memory_space<hbm>>
      tpu.wait_dma2 semaphore(%run_scoped3A : memref<!tpu.dma_semaphore, #tpu.memory_space<semaphore_mem>>) src(%dma_wait3A_585 : memref<2048xf32, #tpu.memory_space<hbm>>) dst(%arg20 : memref<2048xf32, #tpu.memory_space<vmem>>)
      tpu.yield
    }) : () -> ()
    "tpu.region"() ({
      %run_scoped3A = tpu.sem_alloc : memref<!tpu.dma_semaphore, #tpu.memory_space<semaphore_mem>>
      %dma_start3A_582 = tpu.memref_slice %arg9[%mul3A_2] : memref<65536xf32, #tpu.memory_space<hbm>> -> memref<2048xf32, #tpu.memory_space<hbm>>
      %dma_start3A_583 = tpu.memref_slice %arg9[%mul3A_2] : memref<65536xf32, #tpu.memory_space<hbm>> -> memref<2048xf32, #tpu.memory_space<hbm>>
      tpu.enqueue_dma source(%dma_start3A_583 : memref<2048xf32, #tpu.memory_space<hbm>>) target(%arg21 : memref<2048xf32, #tpu.memory_space<vmem>>) target_semaphore(%run_scoped3A : memref<!tpu.dma_semaphore, #tpu.memory_space<semaphore_mem>>)
      %dma_wait3A_584 = tpu.memref_slice %arg9[%mul3A_2] : memref<65536xf32, #tpu.memory_space<hbm>> -> memref<2048xf32, #tpu.memory_space<hbm>>
      %dma_wait3A_585 = tpu.memref_slice %arg9[%mul3A_2] : memref<65536xf32, #tpu.memory_space<hbm>> -> memref<2048xf32, #tpu.memory_space<hbm>>
      tpu.wait_dma2 semaphore(%run_scoped3A : memref<!tpu.dma_semaphore, #tpu.memory_space<semaphore_mem>>) src(%dma_wait3A_585 : memref<2048xf32, #tpu.memory_space<hbm>>) dst(%arg21 : memref<2048xf32, #tpu.memory_space<vmem>>)
      tpu.yield
    }) : () -> ()
    %dma_start3A = arith.constant 0 : i32
    %dma_start3A_3 = tpu.memref_slice %arg16[%dma_start3A] : memref<2048xf32, #tpu.memory_space<vmem>> -> memref<128xf32, #tpu.memory_space<vmem>>
    %dma_start3A_4 = arith.constant 0 : i32
    %dma_start3A_5 = tpu.memref_slice %arg14[%dma_start3A_4] : memref<2048xi32, #tpu.memory_space<vmem>> -> memref<128xi32, #tpu.memory_space<vmem>>
    %dma_start3A_6 = arith.constant 0 : i32
    %dma_start3A_7 = tpu.memref_slice %arg2[%dma_start3A_6] : memref<1024xf32, #tpu.memory_space<hbm>> -> memref<1024xf32, #tpu.memory_space<hbm>>
    tpu.enqueue_indirect_dma source(%dma_start3A_7 : memref<1024xf32, #tpu.memory_space<hbm>>) target(%dma_start3A_3 : memref<128xf32, #tpu.memory_space<vmem>>) offsets(%dma_start3A_5 : memref<128xi32, #tpu.memory_space<vmem>>) semaphore(%arg26 : memref<!tpu.dma_semaphore, #tpu.memory_space<semaphore_mem>>)
    %dma_start3A_8 = arith.constant 0 : i32
    %dma_start3A_9 = tpu.memref_slice %arg17[%dma_start3A_8] : memref<2048xf32, #tpu.memory_space<vmem>> -> memref<128xf32, #tpu.memory_space<vmem>>
    %dma_start3A_10 = arith.constant 0 : i32
    %dma_start3A_11 = tpu.memref_slice %arg14[%dma_start3A_10] : memref<2048xi32, #tpu.memory_space<vmem>> -> memref<128xi32, #tpu.memory_space<vmem>>
    %dma_start3A_12 = arith.constant 0 : i32
    %dma_start3A_13 = tpu.memref_slice %arg3[%dma_start3A_12] : memref<1024xf32, #tpu.memory_space<hbm>> -> memref<1024xf32, #tpu.memory_space<hbm>>
    tpu.enqueue_indirect_dma source(%dma_start3A_13 : memref<1024xf32, #tpu.memory_space<hbm>>) target(%dma_start3A_9 : memref<128xf32, #tpu.memory_space<vmem>>) offsets(%dma_start3A_11 : memref<128xi32, #tpu.memory_space<vmem>>) semaphore(%arg26 : memref<!tpu.dma_semaphore, #tpu.memory_space<semaphore_mem>>)
    %dma_start3A_14 = arith.constant 0 : i32
    %dma_start3A_15 = tpu.memref_slice %arg18[%dma_start3A_14] : memref<2048xf32, #tpu.memory_space<vmem>> -> memref<128xf32, #tpu.memory_space<vmem>>
    %dma_start3A_16 = arith.constant 0 : i32
    %dma_start3A_17 = tpu.memref_slice %arg14[%dma_start3A_16] : memref<2048xi32, #tpu.memory_space<vmem>> -> memref<128xi32, #tpu.memory_space<vmem>>
    %dma_start3A_18 = arith.constant 0 : i32
    %dma_start3A_19 = tpu.memref_slice %arg4[%dma_start3A_18] : memref<1024xf32, #tpu.memory_space<hbm>> -> memref<1024xf32, #tpu.memory_space<hbm>>
    tpu.enqueue_indirect_dma source(%dma_start3A_19 : memref<1024xf32, #tpu.memory_space<hbm>>) target(%dma_start3A_15 : memref<128xf32, #tpu.memory_space<vmem>>) offsets(%dma_start3A_17 : memref<128xi32, #tpu.memory_space<vmem>>) semaphore(%arg26 : memref<!tpu.dma_semaphore, #tpu.memory_space<semaphore_mem>>)
    %dma_wait3A = arith.constant 0 : i32
    %dma_wait3A_20 = tpu.memref_slice %arg16[%dma_wait3A] : memref<2048xf32, #tpu.memory_space<vmem>> -> memref<128xf32, #tpu.memory_space<vmem>>
    %dma_wait3A_21 = arith.constant 0 : i32
    %dma_wait3A_22 = tpu.memref_slice %arg14[%dma_wait3A_21] : memref<2048xi32, #tpu.memory_space<vmem>> -> memref<128xi32, #tpu.memory_space<vmem>>
    %dma_wait3A_23 = arith.constant 0 : i32
    %dma_wait3A_24 = tpu.memref_slice %arg2[%dma_wait3A_23] : memref<1024xf32, #tpu.memory_space<hbm>> -> memref<1024xf32, #tpu.memory_space<hbm>>
    tpu.wait_indirect_dma semaphore(%arg26 : memref<!tpu.dma_semaphore, #tpu.memory_space<semaphore_mem>>) src(%dma_wait3A_24 : memref<1024xf32, #tpu.memory_space<hbm>>) dst(%dma_wait3A_20 : memref<128xf32, #tpu.memory_space<vmem>>)
    %dma_wait3A_25 = arith.constant 0 : i32
    %dma_wait3A_26 = tpu.memref_slice %arg17[%dma_wait3A_25] : memref<2048xf32, #tpu.memory_space<vmem>> -> memref<128xf32, #tpu.memory_space<vmem>>
    %dma_wait3A_27 = arith.constant 0 : i32
    %dma_wait3A_28 = tpu.memref_slice %arg14[%dma_wait3A_27] : memref<2048xi32, #tpu.memory_space<vmem>> -> memref<128xi32, #tpu.memory_space<vmem>>
    %dma_wait3A_29 = arith.constant 0 : i32
    %dma_wait3A_30 = tpu.memref_slice %arg3[%dma_wait3A_29] : memref<1024xf32, #tpu.memory_space<hbm>> -> memref<1024xf32, #tpu.memory_space<hbm>>
    tpu.wait_indirect_dma semaphore(%arg26 : memref<!tpu.dma_semaphore, #tpu.memory_space<semaphore_mem>>) src(%dma_wait3A_30 : memref<1024xf32, #tpu.memory_space<hbm>>) dst(%dma_wait3A_26 : memref<128xf32, #tpu.memory_space<vmem>>)
    %dma_wait3A_31 = arith.constant 0 : i32
    %dma_wait3A_32 = tpu.memref_slice %arg18[%dma_wait3A_31] : memref<2048xf32, #tpu.memory_space<vmem>> -> memref<128xf32, #tpu.memory_space<vmem>>
    %dma_wait3A_33 = arith.constant 0 : i32
    %dma_wait3A_34 = tpu.memref_slice %arg14[%dma_wait3A_33] : memref<2048xi32, #tpu.memory_space<vmem>> -> memref<128xi32, #tpu.memory_space<vmem>>
    %dma_wait3A_35 = arith.constant 0 : i32
    %dma_wait3A_36 = tpu.memref_slice %arg4[%dma_wait3A_35] : memref<1024xf32, #tpu.memory_space<hbm>> -> memref<1024xf32, #tpu.memory_space<hbm>>
    tpu.wait_indirect_dma semaphore(%arg26 : memref<!tpu.dma_semaphore, #tpu.memory_space<semaphore_mem>>) src(%dma_wait3A_36 : memref<1024xf32, #tpu.memory_space<hbm>>) dst(%dma_wait3A_32 : memref<128xf32, #tpu.memory_space<vmem>>)
    %dma_start3A_37 = arith.constant 128 : i32
    %dma_start3A_38 = tpu.memref_slice %arg16[%dma_start3A_37] : memref<2048xf32, #tpu.memory_space<vmem>> -> memref<128xf32, #tpu.memory_space<vmem>>
    %dma_start3A_39 = arith.constant 128 : i32
    %dma_start3A_40 = tpu.memref_slice %arg14[%dma_start3A_39] : memref<2048xi32, #tpu.memory_space<vmem>> -> memref<128xi32, #tpu.memory_space<vmem>>
    %dma_start3A_41 = arith.constant 0 : i32
    %dma_start3A_42 = tpu.memref_slice %arg2[%dma_start3A_41] : memref<1024xf32, #tpu.memory_space<hbm>> -> memref<1024xf32, #tpu.memory_space<hbm>>
    tpu.enqueue_indirect_dma source(%dma_start3A_42 : memref<1024xf32, #tpu.memory_space<hbm>>) target(%dma_start3A_38 : memref<128xf32, #tpu.memory_space<vmem>>) offsets(%dma_start3A_40 : memref<128xi32, #tpu.memory_space<vmem>>) semaphore(%arg26 : memref<!tpu.dma_semaphore, #tpu.memory_space<semaphore_mem>>)
    %dma_start3A_43 = arith.constant 128 : i32
    %dma_start3A_44 = tpu.memref_slice %arg17[%dma_start3A_43] : memref<2048xf32, #tpu.memory_space<vmem>> -> memref<128xf32, #tpu.memory_space<vmem>>
    %dma_start3A_45 = arith.constant 128 : i32
    %dma_start3A_46 = tpu.memref_slice %arg14[%dma_start3A_45] : memref<2048xi32, #tpu.memory_space<vmem>> -> memref<128xi32, #tpu.memory_space<vmem>>
    %dma_start3A_47 = arith.constant 0 : i32
    %dma_start3A_48 = tpu.memref_slice %arg3[%dma_start3A_47] : memref<1024xf32, #tpu.memory_space<hbm>> -> memref<1024xf32, #tpu.memory_space<hbm>>
    tpu.enqueue_indirect_dma source(%dma_start3A_48 : memref<1024xf32, #tpu.memory_space<hbm>>) target(%dma_start3A_44 : memref<128xf32, #tpu.memory_space<vmem>>) offsets(%dma_start3A_46 : memref<128xi32, #tpu.memory_space<vmem>>) semaphore(%arg26 : memref<!tpu.dma_semaphore, #tpu.memory_space<semaphore_mem>>)
    %dma_start3A_49 = arith.constant 128 : i32
    %dma_start3A_50 = tpu.memref_slice %arg18[%dma_start3A_49] : memref<2048xf32, #tpu.memory_space<vmem>> -> memref<128xf32, #tpu.memory_space<vmem>>
    %dma_start3A_51 = arith.constant 128 : i32
    %dma_start3A_52 = tpu.memref_slice %arg14[%dma_start3A_51] : memref<2048xi32, #tpu.memory_space<vmem>> -> memref<128xi32, #tpu.memory_space<vmem>>
    %dma_start3A_53 = arith.constant 0 : i32
    %dma_start3A_54 = tpu.memref_slice %arg4[%dma_start3A_53] : memref<1024xf32, #tpu.memory_space<hbm>> -> memref<1024xf32, #tpu.memory_space<hbm>>
    tpu.enqueue_indirect_dma source(%dma_start3A_54 : memref<1024xf32, #tpu.memory_space<hbm>>) target(%dma_start3A_50 : memref<128xf32, #tpu.memory_space<vmem>>) offsets(%dma_start3A_52 : memref<128xi32, #tpu.memory_space<vmem>>) semaphore(%arg26 : memref<!tpu.dma_semaphore, #tpu.memory_space<semaphore_mem>>)
    %dma_wait3A_55 = arith.constant 128 : i32
    %dma_wait3A_56 = tpu.memref_slice %arg16[%dma_wait3A_55] : memref<2048xf32, #tpu.memory_space<vmem>> -> memref<128xf32, #tpu.memory_space<vmem>>
    %dma_wait3A_57 = arith.constant 128 : i32
    %dma_wait3A_58 = tpu.memref_slice %arg14[%dma_wait3A_57] : memref<2048xi32, #tpu.memory_space<vmem>> -> memref<128xi32, #tpu.memory_space<vmem>>
    %dma_wait3A_59 = arith.constant 0 : i32
    %dma_wait3A_60 = tpu.memref_slice %arg2[%dma_wait3A_59] : memref<1024xf32, #tpu.memory_space<hbm>> -> memref<1024xf32, #tpu.memory_space<hbm>>
    tpu.wait_indirect_dma semaphore(%arg26 : memref<!tpu.dma_semaphore, #tpu.memory_space<semaphore_mem>>) src(%dma_wait3A_60 : memref<1024xf32, #tpu.memory_space<hbm>>) dst(%dma_wait3A_56 : memref<128xf32, #tpu.memory_space<vmem>>)
    %dma_wait3A_61 = arith.constant 128 : i32
    %dma_wait3A_62 = tpu.memref_slice %arg17[%dma_wait3A_61] : memref<2048xf32, #tpu.memory_space<vmem>> -> memref<128xf32, #tpu.memory_space<vmem>>
    %dma_wait3A_63 = arith.constant 128 : i32
    %dma_wait3A_64 = tpu.memref_slice %arg14[%dma_wait3A_63] : memref<2048xi32, #tpu.memory_space<vmem>> -> memref<128xi32, #tpu.memory_space<vmem>>
    %dma_wait3A_65 = arith.constant 0 : i32
    %dma_wait3A_66 = tpu.memref_slice %arg3[%dma_wait3A_65] : memref<1024xf32, #tpu.memory_space<hbm>> -> memref<1024xf32, #tpu.memory_space<hbm>>
    tpu.wait_indirect_dma semaphore(%arg26 : memref<!tpu.dma_semaphore, #tpu.memory_space<semaphore_mem>>) src(%dma_wait3A_66 : memref<1024xf32, #tpu.memory_space<hbm>>) dst(%dma_wait3A_62 : memref<128xf32, #tpu.memory_space<vmem>>)
    %dma_wait3A_67 = arith.constant 128 : i32
    %dma_wait3A_68 = tpu.memref_slice %arg18[%dma_wait3A_67] : memref<2048xf32, #tpu.memory_space<vmem>> -> memref<128xf32, #tpu.memory_space<vmem>>
    %dma_wait3A_69 = arith.constant 128 : i32
    %dma_wait3A_70 = tpu.memref_slice %arg14[%dma_wait3A_69] : memref<2048xi32, #tpu.memory_space<vmem>> -> memref<128xi32, #tpu.memory_space<vmem>>
    %dma_wait3A_71 = arith.constant 0 : i32
    %dma_wait3A_72 = tpu.memref_slice %arg4[%dma_wait3A_71] : memref<1024xf32, #tpu.memory_space<hbm>> -> memref<1024xf32, #tpu.memory_space<hbm>>
    tpu.wait_indirect_dma semaphore(%arg26 : memref<!tpu.dma_semaphore, #tpu.memory_space<semaphore_mem>>) src(%dma_wait3A_72 : memref<1024xf32, #tpu.memory_space<hbm>>) dst(%dma_wait3A_68 : memref<128xf32, #tpu.memory_space<vmem>>)
    %dma_start3A_73 = arith.constant 256 : i32
    %dma_start3A_74 = tpu.memref_slice %arg16[%dma_start3A_73] : memref<2048xf32, #tpu.memory_space<vmem>> -> memref<128xf32, #tpu.memory_space<vmem>>
    %dma_start3A_75 = arith.constant 256 : i32
    %dma_start3A_76 = tpu.memref_slice %arg14[%dma_start3A_75] : memref<2048xi32, #tpu.memory_space<vmem>> -> memref<128xi32, #tpu.memory_space<vmem>>
    %dma_start3A_77 = arith.constant 0 : i32
    %dma_start3A_78 = tpu.memref_slice %arg2[%dma_start3A_77] : memref<1024xf32, #tpu.memory_space<hbm>> -> memref<1024xf32, #tpu.memory_space<hbm>>
    tpu.enqueue_indirect_dma source(%dma_start3A_78 : memref<1024xf32, #tpu.memory_space<hbm>>) target(%dma_start3A_74 : memref<128xf32, #tpu.memory_space<vmem>>) offsets(%dma_start3A_76 : memref<128xi32, #tpu.memory_space<vmem>>) semaphore(%arg26 : memref<!tpu.dma_semaphore, #tpu.memory_space<semaphore_mem>>)
    %dma_start3A_79 = arith.constant 256 : i32
    %dma_start3A_80 = tpu.memref_slice %arg17[%dma_start3A_79] : memref<2048xf32, #tpu.memory_space<vmem>> -> memref<128xf32, #tpu.memory_space<vmem>>
    %dma_start3A_81 = arith.constant 256 : i32
    %dma_start3A_82 = tpu.memref_slice %arg14[%dma_start3A_81] : memref<2048xi32, #tpu.memory_space<vmem>> -> memref<128xi32, #tpu.memory_space<vmem>>
    %dma_start3A_83 = arith.constant 0 : i32
    %dma_start3A_84 = tpu.memref_slice %arg3[%dma_start3A_83] : memref<1024xf32, #tpu.memory_space<hbm>> -> memref<1024xf32, #tpu.memory_space<hbm>>
    tpu.enqueue_indirect_dma source(%dma_start3A_84 : memref<1024xf32, #tpu.memory_space<hbm>>) target(%dma_start3A_80 : memref<128xf32, #tpu.memory_space<vmem>>) offsets(%dma_start3A_82 : memref<128xi32, #tpu.memory_space<vmem>>) semaphore(%arg26 : memref<!tpu.dma_semaphore, #tpu.memory_space<semaphore_mem>>)
    %dma_start3A_85 = arith.constant 256 : i32
    %dma_start3A_86 = tpu.memref_slice %arg18[%dma_start3A_85] : memref<2048xf32, #tpu.memory_space<vmem>> -> memref<128xf32, #tpu.memory_space<vmem>>
    %dma_start3A_87 = arith.constant 256 : i32
    %dma_start3A_88 = tpu.memref_slice %arg14[%dma_start3A_87] : memref<2048xi32, #tpu.memory_space<vmem>> -> memref<128xi32, #tpu.memory_space<vmem>>
    %dma_start3A_89 = arith.constant 0 : i32
    %dma_start3A_90 = tpu.memref_slice %arg4[%dma_start3A_89] : memref<1024xf32, #tpu.memory_space<hbm>> -> memref<1024xf32, #tpu.memory_space<hbm>>
    tpu.enqueue_indirect_dma source(%dma_start3A_90 : memref<1024xf32, #tpu.memory_space<hbm>>) target(%dma_start3A_86 : memref<128xf32, #tpu.memory_space<vmem>>) offsets(%dma_start3A_88 : memref<128xi32, #tpu.memory_space<vmem>>) semaphore(%arg26 : memref<!tpu.dma_semaphore, #tpu.memory_space<semaphore_mem>>)
    %dma_wait3A_91 = arith.constant 256 : i32
    %dma_wait3A_92 = tpu.memref_slice %arg16[%dma_wait3A_91] : memref<2048xf32, #tpu.memory_space<vmem>> -> memref<128xf32, #tpu.memory_space<vmem>>
    %dma_wait3A_93 = arith.constant 256 : i32
    %dma_wait3A_94 = tpu.memref_slice %arg14[%dma_wait3A_93] : memref<2048xi32, #tpu.memory_space<vmem>> -> memref<128xi32, #tpu.memory_space<vmem>>
    %dma_wait3A_95 = arith.constant 0 : i32
    %dma_wait3A_96 = tpu.memref_slice %arg2[%dma_wait3A_95] : memref<1024xf32, #tpu.memory_space<hbm>> -> memref<1024xf32, #tpu.memory_space<hbm>>
    tpu.wait_indirect_dma semaphore(%arg26 : memref<!tpu.dma_semaphore, #tpu.memory_space<semaphore_mem>>) src(%dma_wait3A_96 : memref<1024xf32, #tpu.memory_space<hbm>>) dst(%dma_wait3A_92 : memref<128xf32, #tpu.memory_space<vmem>>)
    %dma_wait3A_97 = arith.constant 256 : i32
    %dma_wait3A_98 = tpu.memref_slice %arg17[%dma_wait3A_97] : memref<2048xf32, #tpu.memory_space<vmem>> -> memref<128xf32, #tpu.memory_space<vmem>>
    %dma_wait3A_99 = arith.constant 256 : i32
    %dma_wait3A_100 = tpu.memref_slice %arg14[%dma_wait3A_99] : memref<2048xi32, #tpu.memory_space<vmem>> -> memref<128xi32, #tpu.memory_space<vmem>>
    %dma_wait3A_101 = arith.constant 0 : i32
    %dma_wait3A_102 = tpu.memref_slice %arg3[%dma_wait3A_101] : memref<1024xf32, #tpu.memory_space<hbm>> -> memref<1024xf32, #tpu.memory_space<hbm>>
    tpu.wait_indirect_dma semaphore(%arg26 : memref<!tpu.dma_semaphore, #tpu.memory_space<semaphore_mem>>) src(%dma_wait3A_102 : memref<1024xf32, #tpu.memory_space<hbm>>) dst(%dma_wait3A_98 : memref<128xf32, #tpu.memory_space<vmem>>)
    %dma_wait3A_103 = arith.constant 256 : i32
    %dma_wait3A_104 = tpu.memref_slice %arg18[%dma_wait3A_103] : memref<2048xf32, #tpu.memory_space<vmem>> -> memref<128xf32, #tpu.memory_space<vmem>>
    %dma_wait3A_105 = arith.constant 256 : i32
    %dma_wait3A_106 = tpu.memref_slice %arg14[%dma_wait3A_105] : memref<2048xi32, #tpu.memory_space<vmem>> -> memref<128xi32, #tpu.memory_space<vmem>>
    %dma_wait3A_107 = arith.constant 0 : i32
    %dma_wait3A_108 = tpu.memref_slice %arg4[%dma_wait3A_107] : memref<1024xf32, #tpu.memory_space<hbm>> -> memref<1024xf32, #tpu.memory_space<hbm>>
    tpu.wait_indirect_dma semaphore(%arg26 : memref<!tpu.dma_semaphore, #tpu.memory_space<semaphore_mem>>) src(%dma_wait3A_108 : memref<1024xf32, #tpu.memory_space<hbm>>) dst(%dma_wait3A_104 : memref<128xf32, #tpu.memory_space<vmem>>)
    %dma_start3A_109 = arith.constant 384 : i32
    %dma_start3A_110 = tpu.memref_slice %arg16[%dma_start3A_109] : memref<2048xf32, #tpu.memory_space<vmem>> -> memref<128xf32, #tpu.memory_space<vmem>>
    %dma_start3A_111 = arith.constant 384 : i32
    %dma_start3A_112 = tpu.memref_slice %arg14[%dma_start3A_111] : memref<2048xi32, #tpu.memory_space<vmem>> -> memref<128xi32, #tpu.memory_space<vmem>>
    %dma_start3A_113 = arith.constant 0 : i32
    %dma_start3A_114 = tpu.memref_slice %arg2[%dma_start3A_113] : memref<1024xf32, #tpu.memory_space<hbm>> -> memref<1024xf32, #tpu.memory_space<hbm>>
    tpu.enqueue_indirect_dma source(%dma_start3A_114 : memref<1024xf32, #tpu.memory_space<hbm>>) target(%dma_start3A_110 : memref<128xf32, #tpu.memory_space<vmem>>) offsets(%dma_start3A_112 : memref<128xi32, #tpu.memory_space<vmem>>) semaphore(%arg26 : memref<!tpu.dma_semaphore, #tpu.memory_space<semaphore_mem>>)
    %dma_start3A_115 = arith.constant 384 : i32
    %dma_start3A_116 = tpu.memref_slice %arg17[%dma_start3A_115] : memref<2048xf32, #tpu.memory_space<vmem>> -> memref<128xf32, #tpu.memory_space<vmem>>
    %dma_start3A_117 = arith.constant 384 : i32
    %dma_start3A_118 = tpu.memref_slice %arg14[%dma_start3A_117] : memref<2048xi32, #tpu.memory_space<vmem>> -> memref<128xi32, #tpu.memory_space<vmem>>
    %dma_start3A_119 = arith.constant 0 : i32
    %dma_start3A_120 = tpu.memref_slice %arg3[%dma_start3A_119] : memref<1024xf32, #tpu.memory_space<hbm>> -> memref<1024xf32, #tpu.memory_space<hbm>>
    tpu.enqueue_indirect_dma source(%dma_start3A_120 : memref<1024xf32, #tpu.memory_space<hbm>>) target(%dma_start3A_116 : memref<128xf32, #tpu.memory_space<vmem>>) offsets(%dma_start3A_118 : memref<128xi32, #tpu.memory_space<vmem>>) semaphore(%arg26 : memref<!tpu.dma_semaphore, #tpu.memory_space<semaphore_mem>>)
    %dma_start3A_121 = arith.constant 384 : i32
    %dma_start3A_122 = tpu.memref_slice %arg18[%dma_start3A_121] : memref<2048xf32, #tpu.memory_space<vmem>> -> memref<128xf32, #tpu.memory_space<vmem>>
    %dma_start3A_123 = arith.constant 384 : i32
    %dma_start3A_124 = tpu.memref_slice %arg14[%dma_start3A_123] : memref<2048xi32, #tpu.memory_space<vmem>> -> memref<128xi32, #tpu.memory_space<vmem>>
    %dma_start3A_125 = arith.constant 0 : i32
    %dma_start3A_126 = tpu.memref_slice %arg4[%dma_start3A_125] : memref<1024xf32, #tpu.memory_space<hbm>> -> memref<1024xf32, #tpu.memory_space<hbm>>
    tpu.enqueue_indirect_dma source(%dma_start3A_126 : memref<1024xf32, #tpu.memory_space<hbm>>) target(%dma_start3A_122 : memref<128xf32, #tpu.memory_space<vmem>>) offsets(%dma_start3A_124 : memref<128xi32, #tpu.memory_space<vmem>>) semaphore(%arg26 : memref<!tpu.dma_semaphore, #tpu.memory_space<semaphore_mem>>)
    %dma_wait3A_127 = arith.constant 384 : i32
    %dma_wait3A_128 = tpu.memref_slice %arg16[%dma_wait3A_127] : memref<2048xf32, #tpu.memory_space<vmem>> -> memref<128xf32, #tpu.memory_space<vmem>>
    %dma_wait3A_129 = arith.constant 384 : i32
    %dma_wait3A_130 = tpu.memref_slice %arg14[%dma_wait3A_129] : memref<2048xi32, #tpu.memory_space<vmem>> -> memref<128xi32, #tpu.memory_space<vmem>>
    %dma_wait3A_131 = arith.constant 0 : i32
    %dma_wait3A_132 = tpu.memref_slice %arg2[%dma_wait3A_131] : memref<1024xf32, #tpu.memory_space<hbm>> -> memref<1024xf32, #tpu.memory_space<hbm>>
    tpu.wait_indirect_dma semaphore(%arg26 : memref<!tpu.dma_semaphore, #tpu.memory_space<semaphore_mem>>) src(%dma_wait3A_132 : memref<1024xf32, #tpu.memory_space<hbm>>) dst(%dma_wait3A_128 : memref<128xf32, #tpu.memory_space<vmem>>)
    %dma_wait3A_133 = arith.constant 384 : i32
    %dma_wait3A_134 = tpu.memref_slice %arg17[%dma_wait3A_133] : memref<2048xf32, #tpu.memory_space<vmem>> -> memref<128xf32, #tpu.memory_space<vmem>>
    %dma_wait3A_135 = arith.constant 384 : i32
    %dma_wait3A_136 = tpu.memref_slice %arg14[%dma_wait3A_135] : memref<2048xi32, #tpu.memory_space<vmem>> -> memref<128xi32, #tpu.memory_space<vmem>>
    %dma_wait3A_137 = arith.constant 0 : i32
    %dma_wait3A_138 = tpu.memref_slice %arg3[%dma_wait3A_137] : memref<1024xf32, #tpu.memory_space<hbm>> -> memref<1024xf32, #tpu.memory_space<hbm>>
    tpu.wait_indirect_dma semaphore(%arg26 : memref<!tpu.dma_semaphore, #tpu.memory_space<semaphore_mem>>) src(%dma_wait3A_138 : memref<1024xf32, #tpu.memory_space<hbm>>) dst(%dma_wait3A_134 : memref<128xf32, #tpu.memory_space<vmem>>)
    %dma_wait3A_139 = arith.constant 384 : i32
    %dma_wait3A_140 = tpu.memref_slice %arg18[%dma_wait3A_139] : memref<2048xf32, #tpu.memory_space<vmem>> -> memref<128xf32, #tpu.memory_space<vmem>>
    %dma_wait3A_141 = arith.constant 384 : i32
    %dma_wait3A_142 = tpu.memref_slice %arg14[%dma_wait3A_141] : memref<2048xi32, #tpu.memory_space<vmem>> -> memref<128xi32, #tpu.memory_space<vmem>>
    %dma_wait3A_143 = arith.constant 0 : i32
    %dma_wait3A_144 = tpu.memref_slice %arg4[%dma_wait3A_143] : memref<1024xf32, #tpu.memory_space<hbm>> -> memref<1024xf32, #tpu.memory_space<hbm>>
    tpu.wait_indirect_dma semaphore(%arg26 : memref<!tpu.dma_semaphore, #tpu.memory_space<semaphore_mem>>) src(%dma_wait3A_144 : memref<1024xf32, #tpu.memory_space<hbm>>) dst(%dma_wait3A_140 : memref<128xf32, #tpu.memory_space<vmem>>)
    %dma_start3A_145 = arith.constant 512 : i32
    %dma_start3A_146 = tpu.memref_slice %arg16[%dma_start3A_145] : memref<2048xf32, #tpu.memory_space<vmem>> -> memref<128xf32, #tpu.memory_space<vmem>>
    %dma_start3A_147 = arith.constant 512 : i32
    %dma_start3A_148 = tpu.memref_slice %arg14[%dma_start3A_147] : memref<2048xi32, #tpu.memory_space<vmem>> -> memref<128xi32, #tpu.memory_space<vmem>>
    %dma_start3A_149 = arith.constant 0 : i32
    %dma_start3A_150 = tpu.memref_slice %arg2[%dma_start3A_149] : memref<1024xf32, #tpu.memory_space<hbm>> -> memref<1024xf32, #tpu.memory_space<hbm>>
    tpu.enqueue_indirect_dma source(%dma_start3A_150 : memref<1024xf32, #tpu.memory_space<hbm>>) target(%dma_start3A_146 : memref<128xf32, #tpu.memory_space<vmem>>) offsets(%dma_start3A_148 : memref<128xi32, #tpu.memory_space<vmem>>) semaphore(%arg26 : memref<!tpu.dma_semaphore, #tpu.memory_space<semaphore_mem>>)
    %dma_start3A_151 = arith.constant 512 : i32
    %dma_start3A_152 = tpu.memref_slice %arg17[%dma_start3A_151] : memref<2048xf32, #tpu.memory_space<vmem>> -> memref<128xf32, #tpu.memory_space<vmem>>
    %dma_start3A_153 = arith.constant 512 : i32
    %dma_start3A_154 = tpu.memref_slice %arg14[%dma_start3A_153] : memref<2048xi32, #tpu.memory_space<vmem>> -> memref<128xi32, #tpu.memory_space<vmem>>
    %dma_start3A_155 = arith.constant 0 : i32
    %dma_start3A_156 = tpu.memref_slice %arg3[%dma_start3A_155] : memref<1024xf32, #tpu.memory_space<hbm>> -> memref<1024xf32, #tpu.memory_space<hbm>>
    tpu.enqueue_indirect_dma source(%dma_start3A_156 : memref<1024xf32, #tpu.memory_space<hbm>>) target(%dma_start3A_152 : memref<128xf32, #tpu.memory_space<vmem>>) offsets(%dma_start3A_154 : memref<128xi32, #tpu.memory_space<vmem>>) semaphore(%arg26 : memref<!tpu.dma_semaphore, #tpu.memory_space<semaphore_mem>>)
    %dma_start3A_157 = arith.constant 512 : i32
    %dma_start3A_158 = tpu.memref_slice %arg18[%dma_start3A_157] : memref<2048xf32, #tpu.memory_space<vmem>> -> memref<128xf32, #tpu.memory_space<vmem>>
    %dma_start3A_159 = arith.constant 512 : i32
    %dma_start3A_160 = tpu.memref_slice %arg14[%dma_start3A_159] : memref<2048xi32, #tpu.memory_space<vmem>> -> memref<128xi32, #tpu.memory_space<vmem>>
    %dma_start3A_161 = arith.constant 0 : i32
    %dma_start3A_162 = tpu.memref_slice %arg4[%dma_start3A_161] : memref<1024xf32, #tpu.memory_space<hbm>> -> memref<1024xf32, #tpu.memory_space<hbm>>
    tpu.enqueue_indirect_dma source(%dma_start3A_162 : memref<1024xf32, #tpu.memory_space<hbm>>) target(%dma_start3A_158 : memref<128xf32, #tpu.memory_space<vmem>>) offsets(%dma_start3A_160 : memref<128xi32, #tpu.memory_space<vmem>>) semaphore(%arg26 : memref<!tpu.dma_semaphore, #tpu.memory_space<semaphore_mem>>)
    %dma_wait3A_163 = arith.constant 512 : i32
    %dma_wait3A_164 = tpu.memref_slice %arg16[%dma_wait3A_163] : memref<2048xf32, #tpu.memory_space<vmem>> -> memref<128xf32, #tpu.memory_space<vmem>>
    %dma_wait3A_165 = arith.constant 512 : i32
    %dma_wait3A_166 = tpu.memref_slice %arg14[%dma_wait3A_165] : memref<2048xi32, #tpu.memory_space<vmem>> -> memref<128xi32, #tpu.memory_space<vmem>>
    %dma_wait3A_167 = arith.constant 0 : i32
    %dma_wait3A_168 = tpu.memref_slice %arg2[%dma_wait3A_167] : memref<1024xf32, #tpu.memory_space<hbm>> -> memref<1024xf32, #tpu.memory_space<hbm>>
    tpu.wait_indirect_dma semaphore(%arg26 : memref<!tpu.dma_semaphore, #tpu.memory_space<semaphore_mem>>) src(%dma_wait3A_168 : memref<1024xf32, #tpu.memory_space<hbm>>) dst(%dma_wait3A_164 : memref<128xf32, #tpu.memory_space<vmem>>)
    %dma_wait3A_169 = arith.constant 512 : i32
    %dma_wait3A_170 = tpu.memref_slice %arg17[%dma_wait3A_169] : memref<2048xf32, #tpu.memory_space<vmem>> -> memref<128xf32, #tpu.memory_space<vmem>>
    %dma_wait3A_171 = arith.constant 512 : i32
    %dma_wait3A_172 = tpu.memref_slice %arg14[%dma_wait3A_171] : memref<2048xi32, #tpu.memory_space<vmem>> -> memref<128xi32, #tpu.memory_space<vmem>>
    %dma_wait3A_173 = arith.constant 0 : i32
    %dma_wait3A_174 = tpu.memref_slice %arg3[%dma_wait3A_173] : memref<1024xf32, #tpu.memory_space<hbm>> -> memref<1024xf32, #tpu.memory_space<hbm>>
    tpu.wait_indirect_dma semaphore(%arg26 : memref<!tpu.dma_semaphore, #tpu.memory_space<semaphore_mem>>) src(%dma_wait3A_174 : memref<1024xf32, #tpu.memory_space<hbm>>) dst(%dma_wait3A_170 : memref<128xf32, #tpu.memory_space<vmem>>)
    %dma_wait3A_175 = arith.constant 512 : i32
    %dma_wait3A_176 = tpu.memref_slice %arg18[%dma_wait3A_175] : memref<2048xf32, #tpu.memory_space<vmem>> -> memref<128xf32, #tpu.memory_space<vmem>>
    %dma_wait3A_177 = arith.constant 512 : i32
    %dma_wait3A_178 = tpu.memref_slice %arg14[%dma_wait3A_177] : memref<2048xi32, #tpu.memory_space<vmem>> -> memref<128xi32, #tpu.memory_space<vmem>>
    %dma_wait3A_179 = arith.constant 0 : i32
    %dma_wait3A_180 = tpu.memref_slice %arg4[%dma_wait3A_179] : memref<1024xf32, #tpu.memory_space<hbm>> -> memref<1024xf32, #tpu.memory_space<hbm>>
    tpu.wait_indirect_dma semaphore(%arg26 : memref<!tpu.dma_semaphore, #tpu.memory_space<semaphore_mem>>) src(%dma_wait3A_180 : memref<1024xf32, #tpu.memory_space<hbm>>) dst(%dma_wait3A_176 : memref<128xf32, #tpu.memory_space<vmem>>)
    %dma_start3A_181 = arith.constant 640 : i32
    %dma_start3A_182 = tpu.memref_slice %arg16[%dma_start3A_181] : memref<2048xf32, #tpu.memory_space<vmem>> -> memref<128xf32, #tpu.memory_space<vmem>>
    %dma_start3A_183 = arith.constant 640 : i32
    %dma_start3A_184 = tpu.memref_slice %arg14[%dma_start3A_183] : memref<2048xi32, #tpu.memory_space<vmem>> -> memref<128xi32, #tpu.memory_space<vmem>>
    %dma_start3A_185 = arith.constant 0 : i32
    %dma_start3A_186 = tpu.memref_slice %arg2[%dma_start3A_185] : memref<1024xf32, #tpu.memory_space<hbm>> -> memref<1024xf32, #tpu.memory_space<hbm>>
    tpu.enqueue_indirect_dma source(%dma_start3A_186 : memref<1024xf32, #tpu.memory_space<hbm>>) target(%dma_start3A_182 : memref<128xf32, #tpu.memory_space<vmem>>) offsets(%dma_start3A_184 : memref<128xi32, #tpu.memory_space<vmem>>) semaphore(%arg26 : memref<!tpu.dma_semaphore, #tpu.memory_space<semaphore_mem>>)
    %dma_start3A_187 = arith.constant 640 : i32
    %dma_start3A_188 = tpu.memref_slice %arg17[%dma_start3A_187] : memref<2048xf32, #tpu.memory_space<vmem>> -> memref<128xf32, #tpu.memory_space<vmem>>
    %dma_start3A_189 = arith.constant 640 : i32
    %dma_start3A_190 = tpu.memref_slice %arg14[%dma_start3A_189] : memref<2048xi32, #tpu.memory_space<vmem>> -> memref<128xi32, #tpu.memory_space<vmem>>
    %dma_start3A_191 = arith.constant 0 : i32
    %dma_start3A_192 = tpu.memref_slice %arg3[%dma_start3A_191] : memref<1024xf32, #tpu.memory_space<hbm>> -> memref<1024xf32, #tpu.memory_space<hbm>>
    tpu.enqueue_indirect_dma source(%dma_start3A_192 : memref<1024xf32, #tpu.memory_space<hbm>>) target(%dma_start3A_188 : memref<128xf32, #tpu.memory_space<vmem>>) offsets(%dma_start3A_190 : memref<128xi32, #tpu.memory_space<vmem>>) semaphore(%arg26 : memref<!tpu.dma_semaphore, #tpu.memory_space<semaphore_mem>>)
    %dma_start3A_193 = arith.constant 640 : i32
    %dma_start3A_194 = tpu.memref_slice %arg18[%dma_start3A_193] : memref<2048xf32, #tpu.memory_space<vmem>> -> memref<128xf32, #tpu.memory_space<vmem>>
    %dma_start3A_195 = arith.constant 640 : i32
    %dma_start3A_196 = tpu.memref_slice %arg14[%dma_start3A_195] : memref<2048xi32, #tpu.memory_space<vmem>> -> memref<128xi32, #tpu.memory_space<vmem>>
    %dma_start3A_197 = arith.constant 0 : i32
    %dma_start3A_198 = tpu.memref_slice %arg4[%dma_start3A_197] : memref<1024xf32, #tpu.memory_space<hbm>> -> memref<1024xf32, #tpu.memory_space<hbm>>
    tpu.enqueue_indirect_dma source(%dma_start3A_198 : memref<1024xf32, #tpu.memory_space<hbm>>) target(%dma_start3A_194 : memref<128xf32, #tpu.memory_space<vmem>>) offsets(%dma_start3A_196 : memref<128xi32, #tpu.memory_space<vmem>>) semaphore(%arg26 : memref<!tpu.dma_semaphore, #tpu.memory_space<semaphore_mem>>)
    %dma_wait3A_199 = arith.constant 640 : i32
    %dma_wait3A_200 = tpu.memref_slice %arg16[%dma_wait3A_199] : memref<2048xf32, #tpu.memory_space<vmem>> -> memref<128xf32, #tpu.memory_space<vmem>>
    %dma_wait3A_201 = arith.constant 640 : i32
    %dma_wait3A_202 = tpu.memref_slice %arg14[%dma_wait3A_201] : memref<2048xi32, #tpu.memory_space<vmem>> -> memref<128xi32, #tpu.memory_space<vmem>>
    %dma_wait3A_203 = arith.constant 0 : i32
    %dma_wait3A_204 = tpu.memref_slice %arg2[%dma_wait3A_203] : memref<1024xf32, #tpu.memory_space<hbm>> -> memref<1024xf32, #tpu.memory_space<hbm>>
    tpu.wait_indirect_dma semaphore(%arg26 : memref<!tpu.dma_semaphore, #tpu.memory_space<semaphore_mem>>) src(%dma_wait3A_204 : memref<1024xf32, #tpu.memory_space<hbm>>) dst(%dma_wait3A_200 : memref<128xf32, #tpu.memory_space<vmem>>)
    %dma_wait3A_205 = arith.constant 640 : i32
    %dma_wait3A_206 = tpu.memref_slice %arg17[%dma_wait3A_205] : memref<2048xf32, #tpu.memory_space<vmem>> -> memref<128xf32, #tpu.memory_space<vmem>>
    %dma_wait3A_207 = arith.constant 640 : i32
    %dma_wait3A_208 = tpu.memref_slice %arg14[%dma_wait3A_207] : memref<2048xi32, #tpu.memory_space<vmem>> -> memref<128xi32, #tpu.memory_space<vmem>>
    %dma_wait3A_209 = arith.constant 0 : i32
    %dma_wait3A_210 = tpu.memref_slice %arg3[%dma_wait3A_209] : memref<1024xf32, #tpu.memory_space<hbm>> -> memref<1024xf32, #tpu.memory_space<hbm>>
    tpu.wait_indirect_dma semaphore(%arg26 : memref<!tpu.dma_semaphore, #tpu.memory_space<semaphore_mem>>) src(%dma_wait3A_210 : memref<1024xf32, #tpu.memory_space<hbm>>) dst(%dma_wait3A_206 : memref<128xf32, #tpu.memory_space<vmem>>)
    %dma_wait3A_211 = arith.constant 640 : i32
    %dma_wait3A_212 = tpu.memref_slice %arg18[%dma_wait3A_211] : memref<2048xf32, #tpu.memory_space<vmem>> -> memref<128xf32, #tpu.memory_space<vmem>>
    %dma_wait3A_213 = arith.constant 640 : i32
    %dma_wait3A_214 = tpu.memref_slice %arg14[%dma_wait3A_213] : memref<2048xi32, #tpu.memory_space<vmem>> -> memref<128xi32, #tpu.memory_space<vmem>>
    %dma_wait3A_215 = arith.constant 0 : i32
    %dma_wait3A_216 = tpu.memref_slice %arg4[%dma_wait3A_215] : memref<1024xf32, #tpu.memory_space<hbm>> -> memref<1024xf32, #tpu.memory_space<hbm>>
    tpu.wait_indirect_dma semaphore(%arg26 : memref<!tpu.dma_semaphore, #tpu.memory_space<semaphore_mem>>) src(%dma_wait3A_216 : memref<1024xf32, #tpu.memory_space<hbm>>) dst(%dma_wait3A_212 : memref<128xf32, #tpu.memory_space<vmem>>)
    %dma_start3A_217 = arith.constant 768 : i32
    %dma_start3A_218 = tpu.memref_slice %arg16[%dma_start3A_217] : memref<2048xf32, #tpu.memory_space<vmem>> -> memref<128xf32, #tpu.memory_space<vmem>>
    %dma_start3A_219 = arith.constant 768 : i32
    %dma_start3A_220 = tpu.memref_slice %arg14[%dma_start3A_219] : memref<2048xi32, #tpu.memory_space<vmem>> -> memref<128xi32, #tpu.memory_space<vmem>>
    %dma_start3A_221 = arith.constant 0 : i32
    %dma_start3A_222 = tpu.memref_slice %arg2[%dma_start3A_221] : memref<1024xf32, #tpu.memory_space<hbm>> -> memref<1024xf32, #tpu.memory_space<hbm>>
    tpu.enqueue_indirect_dma source(%dma_start3A_222 : memref<1024xf32, #tpu.memory_space<hbm>>) target(%dma_start3A_218 : memref<128xf32, #tpu.memory_space<vmem>>) offsets(%dma_start3A_220 : memref<128xi32, #tpu.memory_space<vmem>>) semaphore(%arg26 : memref<!tpu.dma_semaphore, #tpu.memory_space<semaphore_mem>>)
    %dma_start3A_223 = arith.constant 768 : i32
    %dma_start3A_224 = tpu.memref_slice %arg17[%dma_start3A_223] : memref<2048xf32, #tpu.memory_space<vmem>> -> memref<128xf32, #tpu.memory_space<vmem>>
    %dma_start3A_225 = arith.constant 768 : i32
    %dma_start3A_226 = tpu.memref_slice %arg14[%dma_start3A_225] : memref<2048xi32, #tpu.memory_space<vmem>> -> memref<128xi32, #tpu.memory_space<vmem>>
    %dma_start3A_227 = arith.constant 0 : i32
    %dma_start3A_228 = tpu.memref_slice %arg3[%dma_start3A_227] : memref<1024xf32, #tpu.memory_space<hbm>> -> memref<1024xf32, #tpu.memory_space<hbm>>
    tpu.enqueue_indirect_dma source(%dma_start3A_228 : memref<1024xf32, #tpu.memory_space<hbm>>) target(%dma_start3A_224 : memref<128xf32, #tpu.memory_space<vmem>>) offsets(%dma_start3A_226 : memref<128xi32, #tpu.memory_space<vmem>>) semaphore(%arg26 : memref<!tpu.dma_semaphore, #tpu.memory_space<semaphore_mem>>)
    %dma_start3A_229 = arith.constant 768 : i32
    %dma_start3A_230 = tpu.memref_slice %arg18[%dma_start3A_229] : memref<2048xf32, #tpu.memory_space<vmem>> -> memref<128xf32, #tpu.memory_space<vmem>>
    %dma_start3A_231 = arith.constant 768 : i32
    %dma_start3A_232 = tpu.memref_slice %arg14[%dma_start3A_231] : memref<2048xi32, #tpu.memory_space<vmem>> -> memref<128xi32, #tpu.memory_space<vmem>>
    %dma_start3A_233 = arith.constant 0 : i32
    %dma_start3A_234 = tpu.memref_slice %arg4[%dma_start3A_233] : memref<1024xf32, #tpu.memory_space<hbm>> -> memref<1024xf32, #tpu.memory_space<hbm>>
    tpu.enqueue_indirect_dma source(%dma_start3A_234 : memref<1024xf32, #tpu.memory_space<hbm>>) target(%dma_start3A_230 : memref<128xf32, #tpu.memory_space<vmem>>) offsets(%dma_start3A_232 : memref<128xi32, #tpu.memory_space<vmem>>) semaphore(%arg26 : memref<!tpu.dma_semaphore, #tpu.memory_space<semaphore_mem>>)
    %dma_wait3A_235 = arith.constant 768 : i32
    %dma_wait3A_236 = tpu.memref_slice %arg16[%dma_wait3A_235] : memref<2048xf32, #tpu.memory_space<vmem>> -> memref<128xf32, #tpu.memory_space<vmem>>
    %dma_wait3A_237 = arith.constant 768 : i32
    %dma_wait3A_238 = tpu.memref_slice %arg14[%dma_wait3A_237] : memref<2048xi32, #tpu.memory_space<vmem>> -> memref<128xi32, #tpu.memory_space<vmem>>
    %dma_wait3A_239 = arith.constant 0 : i32
    %dma_wait3A_240 = tpu.memref_slice %arg2[%dma_wait3A_239] : memref<1024xf32, #tpu.memory_space<hbm>> -> memref<1024xf32, #tpu.memory_space<hbm>>
    tpu.wait_indirect_dma semaphore(%arg26 : memref<!tpu.dma_semaphore, #tpu.memory_space<semaphore_mem>>) src(%dma_wait3A_240 : memref<1024xf32, #tpu.memory_space<hbm>>) dst(%dma_wait3A_236 : memref<128xf32, #tpu.memory_space<vmem>>)
    %dma_wait3A_241 = arith.constant 768 : i32
    %dma_wait3A_242 = tpu.memref_slice %arg17[%dma_wait3A_241] : memref<2048xf32, #tpu.memory_space<vmem>> -> memref<128xf32, #tpu.memory_space<vmem>>
    %dma_wait3A_243 = arith.constant 768 : i32
    %dma_wait3A_244 = tpu.memref_slice %arg14[%dma_wait3A_243] : memref<2048xi32, #tpu.memory_space<vmem>> -> memref<128xi32, #tpu.memory_space<vmem>>
    %dma_wait3A_245 = arith.constant 0 : i32
    %dma_wait3A_246 = tpu.memref_slice %arg3[%dma_wait3A_245] : memref<1024xf32, #tpu.memory_space<hbm>> -> memref<1024xf32, #tpu.memory_space<hbm>>
    tpu.wait_indirect_dma semaphore(%arg26 : memref<!tpu.dma_semaphore, #tpu.memory_space<semaphore_mem>>) src(%dma_wait3A_246 : memref<1024xf32, #tpu.memory_space<hbm>>) dst(%dma_wait3A_242 : memref<128xf32, #tpu.memory_space<vmem>>)
    %dma_wait3A_247 = arith.constant 768 : i32
    %dma_wait3A_248 = tpu.memref_slice %arg18[%dma_wait3A_247] : memref<2048xf32, #tpu.memory_space<vmem>> -> memref<128xf32, #tpu.memory_space<vmem>>
    %dma_wait3A_249 = arith.constant 768 : i32
    %dma_wait3A_250 = tpu.memref_slice %arg14[%dma_wait3A_249] : memref<2048xi32, #tpu.memory_space<vmem>> -> memref<128xi32, #tpu.memory_space<vmem>>
    %dma_wait3A_251 = arith.constant 0 : i32
    %dma_wait3A_252 = tpu.memref_slice %arg4[%dma_wait3A_251] : memref<1024xf32, #tpu.memory_space<hbm>> -> memref<1024xf32, #tpu.memory_space<hbm>>
    tpu.wait_indirect_dma semaphore(%arg26 : memref<!tpu.dma_semaphore, #tpu.memory_space<semaphore_mem>>) src(%dma_wait3A_252 : memref<1024xf32, #tpu.memory_space<hbm>>) dst(%dma_wait3A_248 : memref<128xf32, #tpu.memory_space<vmem>>)
    %dma_start3A_253 = arith.constant 896 : i32
    %dma_start3A_254 = tpu.memref_slice %arg16[%dma_start3A_253] : memref<2048xf32, #tpu.memory_space<vmem>> -> memref<128xf32, #tpu.memory_space<vmem>>
    %dma_start3A_255 = arith.constant 896 : i32
    %dma_start3A_256 = tpu.memref_slice %arg14[%dma_start3A_255] : memref<2048xi32, #tpu.memory_space<vmem>> -> memref<128xi32, #tpu.memory_space<vmem>>
    %dma_start3A_257 = arith.constant 0 : i32
    %dma_start3A_258 = tpu.memref_slice %arg2[%dma_start3A_257] : memref<1024xf32, #tpu.memory_space<hbm>> -> memref<1024xf32, #tpu.memory_space<hbm>>
    tpu.enqueue_indirect_dma source(%dma_start3A_258 : memref<1024xf32, #tpu.memory_space<hbm>>) target(%dma_start3A_254 : memref<128xf32, #tpu.memory_space<vmem>>) offsets(%dma_start3A_256 : memref<128xi32, #tpu.memory_space<vmem>>) semaphore(%arg26 : memref<!tpu.dma_semaphore, #tpu.memory_space<semaphore_mem>>)
    %dma_start3A_259 = arith.constant 896 : i32
    %dma_start3A_260 = tpu.memref_slice %arg17[%dma_start3A_259] : memref<2048xf32, #tpu.memory_space<vmem>> -> memref<128xf32, #tpu.memory_space<vmem>>
    %dma_start3A_261 = arith.constant 896 : i32
    %dma_start3A_262 = tpu.memref_slice %arg14[%dma_start3A_261] : memref<2048xi32, #tpu.memory_space<vmem>> -> memref<128xi32, #tpu.memory_space<vmem>>
    %dma_start3A_263 = arith.constant 0 : i32
    %dma_start3A_264 = tpu.memref_slice %arg3[%dma_start3A_263] : memref<1024xf32, #tpu.memory_space<hbm>> -> memref<1024xf32, #tpu.memory_space<hbm>>
    tpu.enqueue_indirect_dma source(%dma_start3A_264 : memref<1024xf32, #tpu.memory_space<hbm>>) target(%dma_start3A_260 : memref<128xf32, #tpu.memory_space<vmem>>) offsets(%dma_start3A_262 : memref<128xi32, #tpu.memory_space<vmem>>) semaphore(%arg26 : memref<!tpu.dma_semaphore, #tpu.memory_space<semaphore_mem>>)
    %dma_start3A_265 = arith.constant 896 : i32
    %dma_start3A_266 = tpu.memref_slice %arg18[%dma_start3A_265] : memref<2048xf32, #tpu.memory_space<vmem>> -> memref<128xf32, #tpu.memory_space<vmem>>
    %dma_start3A_267 = arith.constant 896 : i32
    %dma_start3A_268 = tpu.memref_slice %arg14[%dma_start3A_267] : memref<2048xi32, #tpu.memory_space<vmem>> -> memref<128xi32, #tpu.memory_space<vmem>>
    %dma_start3A_269 = arith.constant 0 : i32
    %dma_start3A_270 = tpu.memref_slice %arg4[%dma_start3A_269] : memref<1024xf32, #tpu.memory_space<hbm>> -> memref<1024xf32, #tpu.memory_space<hbm>>
    tpu.enqueue_indirect_dma source(%dma_start3A_270 : memref<1024xf32, #tpu.memory_space<hbm>>) target(%dma_start3A_266 : memref<128xf32, #tpu.memory_space<vmem>>) offsets(%dma_start3A_268 : memref<128xi32, #tpu.memory_space<vmem>>) semaphore(%arg26 : memref<!tpu.dma_semaphore, #tpu.memory_space<semaphore_mem>>)
    %dma_wait3A_271 = arith.constant 896 : i32
    %dma_wait3A_272 = tpu.memref_slice %arg16[%dma_wait3A_271] : memref<2048xf32, #tpu.memory_space<vmem>> -> memref<128xf32, #tpu.memory_space<vmem>>
    %dma_wait3A_273 = arith.constant 896 : i32
    %dma_wait3A_274 = tpu.memref_slice %arg14[%dma_wait3A_273] : memref<2048xi32, #tpu.memory_space<vmem>> -> memref<128xi32, #tpu.memory_space<vmem>>
    %dma_wait3A_275 = arith.constant 0 : i32
    %dma_wait3A_276 = tpu.memref_slice %arg2[%dma_wait3A_275] : memref<1024xf32, #tpu.memory_space<hbm>> -> memref<1024xf32, #tpu.memory_space<hbm>>
    tpu.wait_indirect_dma semaphore(%arg26 : memref<!tpu.dma_semaphore, #tpu.memory_space<semaphore_mem>>) src(%dma_wait3A_276 : memref<1024xf32, #tpu.memory_space<hbm>>) dst(%dma_wait3A_272 : memref<128xf32, #tpu.memory_space<vmem>>)
    %dma_wait3A_277 = arith.constant 896 : i32
    %dma_wait3A_278 = tpu.memref_slice %arg17[%dma_wait3A_277] : memref<2048xf32, #tpu.memory_space<vmem>> -> memref<128xf32, #tpu.memory_space<vmem>>
    %dma_wait3A_279 = arith.constant 896 : i32
    %dma_wait3A_280 = tpu.memref_slice %arg14[%dma_wait3A_279] : memref<2048xi32, #tpu.memory_space<vmem>> -> memref<128xi32, #tpu.memory_space<vmem>>
    %dma_wait3A_281 = arith.constant 0 : i32
    %dma_wait3A_282 = tpu.memref_slice %arg3[%dma_wait3A_281] : memref<1024xf32, #tpu.memory_space<hbm>> -> memref<1024xf32, #tpu.memory_space<hbm>>
    tpu.wait_indirect_dma semaphore(%arg26 : memref<!tpu.dma_semaphore, #tpu.memory_space<semaphore_mem>>) src(%dma_wait3A_282 : memref<1024xf32, #tpu.memory_space<hbm>>) dst(%dma_wait3A_278 : memref<128xf32, #tpu.memory_space<vmem>>)
    %dma_wait3A_283 = arith.constant 896 : i32
    %dma_wait3A_284 = tpu.memref_slice %arg18[%dma_wait3A_283] : memref<2048xf32, #tpu.memory_space<vmem>> -> memref<128xf32, #tpu.memory_space<vmem>>
    %dma_wait3A_285 = arith.constant 896 : i32
    %dma_wait3A_286 = tpu.memref_slice %arg14[%dma_wait3A_285] : memref<2048xi32, #tpu.memory_space<vmem>> -> memref<128xi32, #tpu.memory_space<vmem>>
    %dma_wait3A_287 = arith.constant 0 : i32
    %dma_wait3A_288 = tpu.memref_slice %arg4[%dma_wait3A_287] : memref<1024xf32, #tpu.memory_space<hbm>> -> memref<1024xf32, #tpu.memory_space<hbm>>
    tpu.wait_indirect_dma semaphore(%arg26 : memref<!tpu.dma_semaphore, #tpu.memory_space<semaphore_mem>>) src(%dma_wait3A_288 : memref<1024xf32, #tpu.memory_space<hbm>>) dst(%dma_wait3A_284 : memref<128xf32, #tpu.memory_space<vmem>>)
    %dma_start3A_289 = arith.constant 1024 : i32
    %dma_start3A_290 = tpu.memref_slice %arg16[%dma_start3A_289] : memref<2048xf32, #tpu.memory_space<vmem>> -> memref<128xf32, #tpu.memory_space<vmem>>
    %dma_start3A_291 = arith.constant 1024 : i32
    %dma_start3A_292 = tpu.memref_slice %arg14[%dma_start3A_291] : memref<2048xi32, #tpu.memory_space<vmem>> -> memref<128xi32, #tpu.memory_space<vmem>>
    %dma_start3A_293 = arith.constant 0 : i32
    %dma_start3A_294 = tpu.memref_slice %arg2[%dma_start3A_293] : memref<1024xf32, #tpu.memory_space<hbm>> -> memref<1024xf32, #tpu.memory_space<hbm>>
    tpu.enqueue_indirect_dma source(%dma_start3A_294 : memref<1024xf32, #tpu.memory_space<hbm>>) target(%dma_start3A_290 : memref<128xf32, #tpu.memory_space<vmem>>) offsets(%dma_start3A_292 : memref<128xi32, #tpu.memory_space<vmem>>) semaphore(%arg26 : memref<!tpu.dma_semaphore, #tpu.memory_space<semaphore_mem>>)
    %dma_start3A_295 = arith.constant 1024 : i32
    %dma_start3A_296 = tpu.memref_slice %arg17[%dma_start3A_295] : memref<2048xf32, #tpu.memory_space<vmem>> -> memref<128xf32, #tpu.memory_space<vmem>>
    %dma_start3A_297 = arith.constant 1024 : i32
    %dma_start3A_298 = tpu.memref_slice %arg14[%dma_start3A_297] : memref<2048xi32, #tpu.memory_space<vmem>> -> memref<128xi32, #tpu.memory_space<vmem>>
    %dma_start3A_299 = arith.constant 0 : i32
    %dma_start3A_300 = tpu.memref_slice %arg3[%dma_start3A_299] : memref<1024xf32, #tpu.memory_space<hbm>> -> memref<1024xf32, #tpu.memory_space<hbm>>
    tpu.enqueue_indirect_dma source(%dma_start3A_300 : memref<1024xf32, #tpu.memory_space<hbm>>) target(%dma_start3A_296 : memref<128xf32, #tpu.memory_space<vmem>>) offsets(%dma_start3A_298 : memref<128xi32, #tpu.memory_space<vmem>>) semaphore(%arg26 : memref<!tpu.dma_semaphore, #tpu.memory_space<semaphore_mem>>)
    %dma_start3A_301 = arith.constant 1024 : i32
    %dma_start3A_302 = tpu.memref_slice %arg18[%dma_start3A_301] : memref<2048xf32, #tpu.memory_space<vmem>> -> memref<128xf32, #tpu.memory_space<vmem>>
    %dma_start3A_303 = arith.constant 1024 : i32
    %dma_start3A_304 = tpu.memref_slice %arg14[%dma_start3A_303] : memref<2048xi32, #tpu.memory_space<vmem>> -> memref<128xi32, #tpu.memory_space<vmem>>
    %dma_start3A_305 = arith.constant 0 : i32
    %dma_start3A_306 = tpu.memref_slice %arg4[%dma_start3A_305] : memref<1024xf32, #tpu.memory_space<hbm>> -> memref<1024xf32, #tpu.memory_space<hbm>>
    tpu.enqueue_indirect_dma source(%dma_start3A_306 : memref<1024xf32, #tpu.memory_space<hbm>>) target(%dma_start3A_302 : memref<128xf32, #tpu.memory_space<vmem>>) offsets(%dma_start3A_304 : memref<128xi32, #tpu.memory_space<vmem>>) semaphore(%arg26 : memref<!tpu.dma_semaphore, #tpu.memory_space<semaphore_mem>>)
    %dma_wait3A_307 = arith.constant 1024 : i32
    %dma_wait3A_308 = tpu.memref_slice %arg16[%dma_wait3A_307] : memref<2048xf32, #tpu.memory_space<vmem>> -> memref<128xf32, #tpu.memory_space<vmem>>
    %dma_wait3A_309 = arith.constant 1024 : i32
    %dma_wait3A_310 = tpu.memref_slice %arg14[%dma_wait3A_309] : memref<2048xi32, #tpu.memory_space<vmem>> -> memref<128xi32, #tpu.memory_space<vmem>>
    %dma_wait3A_311 = arith.constant 0 : i32
    %dma_wait3A_312 = tpu.memref_slice %arg2[%dma_wait3A_311] : memref<1024xf32, #tpu.memory_space<hbm>> -> memref<1024xf32, #tpu.memory_space<hbm>>
    tpu.wait_indirect_dma semaphore(%arg26 : memref<!tpu.dma_semaphore, #tpu.memory_space<semaphore_mem>>) src(%dma_wait3A_312 : memref<1024xf32, #tpu.memory_space<hbm>>) dst(%dma_wait3A_308 : memref<128xf32, #tpu.memory_space<vmem>>)
    %dma_wait3A_313 = arith.constant 1024 : i32
    %dma_wait3A_314 = tpu.memref_slice %arg17[%dma_wait3A_313] : memref<2048xf32, #tpu.memory_space<vmem>> -> memref<128xf32, #tpu.memory_space<vmem>>
    %dma_wait3A_315 = arith.constant 1024 : i32
    %dma_wait3A_316 = tpu.memref_slice %arg14[%dma_wait3A_315] : memref<2048xi32, #tpu.memory_space<vmem>> -> memref<128xi32, #tpu.memory_space<vmem>>
    %dma_wait3A_317 = arith.constant 0 : i32
    %dma_wait3A_318 = tpu.memref_slice %arg3[%dma_wait3A_317] : memref<1024xf32, #tpu.memory_space<hbm>> -> memref<1024xf32, #tpu.memory_space<hbm>>
    tpu.wait_indirect_dma semaphore(%arg26 : memref<!tpu.dma_semaphore, #tpu.memory_space<semaphore_mem>>) src(%dma_wait3A_318 : memref<1024xf32, #tpu.memory_space<hbm>>) dst(%dma_wait3A_314 : memref<128xf32, #tpu.memory_space<vmem>>)
    %dma_wait3A_319 = arith.constant 1024 : i32
    %dma_wait3A_320 = tpu.memref_slice %arg18[%dma_wait3A_319] : memref<2048xf32, #tpu.memory_space<vmem>> -> memref<128xf32, #tpu.memory_space<vmem>>
    %dma_wait3A_321 = arith.constant 1024 : i32
    %dma_wait3A_322 = tpu.memref_slice %arg14[%dma_wait3A_321] : memref<2048xi32, #tpu.memory_space<vmem>> -> memref<128xi32, #tpu.memory_space<vmem>>
    %dma_wait3A_323 = arith.constant 0 : i32
    %dma_wait3A_324 = tpu.memref_slice %arg4[%dma_wait3A_323] : memref<1024xf32, #tpu.memory_space<hbm>> -> memref<1024xf32, #tpu.memory_space<hbm>>
    tpu.wait_indirect_dma semaphore(%arg26 : memref<!tpu.dma_semaphore, #tpu.memory_space<semaphore_mem>>) src(%dma_wait3A_324 : memref<1024xf32, #tpu.memory_space<hbm>>) dst(%dma_wait3A_320 : memref<128xf32, #tpu.memory_space<vmem>>)
    %dma_start3A_325 = arith.constant 1152 : i32
    %dma_start3A_326 = tpu.memref_slice %arg16[%dma_start3A_325] : memref<2048xf32, #tpu.memory_space<vmem>> -> memref<128xf32, #tpu.memory_space<vmem>>
    %dma_start3A_327 = arith.constant 1152 : i32
    %dma_start3A_328 = tpu.memref_slice %arg14[%dma_start3A_327] : memref<2048xi32, #tpu.memory_space<vmem>> -> memref<128xi32, #tpu.memory_space<vmem>>
    %dma_start3A_329 = arith.constant 0 : i32
    %dma_start3A_330 = tpu.memref_slice %arg2[%dma_start3A_329] : memref<1024xf32, #tpu.memory_space<hbm>> -> memref<1024xf32, #tpu.memory_space<hbm>>
    tpu.enqueue_indirect_dma source(%dma_start3A_330 : memref<1024xf32, #tpu.memory_space<hbm>>) target(%dma_start3A_326 : memref<128xf32, #tpu.memory_space<vmem>>) offsets(%dma_start3A_328 : memref<128xi32, #tpu.memory_space<vmem>>) semaphore(%arg26 : memref<!tpu.dma_semaphore, #tpu.memory_space<semaphore_mem>>)
    %dma_start3A_331 = arith.constant 1152 : i32
    %dma_start3A_332 = tpu.memref_slice %arg17[%dma_start3A_331] : memref<2048xf32, #tpu.memory_space<vmem>> -> memref<128xf32, #tpu.memory_space<vmem>>
    %dma_start3A_333 = arith.constant 1152 : i32
    %dma_start3A_334 = tpu.memref_slice %arg14[%dma_start3A_333] : memref<2048xi32, #tpu.memory_space<vmem>> -> memref<128xi32, #tpu.memory_space<vmem>>
    %dma_start3A_335 = arith.constant 0 : i32
    %dma_start3A_336 = tpu.memref_slice %arg3[%dma_start3A_335] : memref<1024xf32, #tpu.memory_space<hbm>> -> memref<1024xf32, #tpu.memory_space<hbm>>
    tpu.enqueue_indirect_dma source(%dma_start3A_336 : memref<1024xf32, #tpu.memory_space<hbm>>) target(%dma_start3A_332 : memref<128xf32, #tpu.memory_space<vmem>>) offsets(%dma_start3A_334 : memref<128xi32, #tpu.memory_space<vmem>>) semaphore(%arg26 : memref<!tpu.dma_semaphore, #tpu.memory_space<semaphore_mem>>)
    %dma_start3A_337 = arith.constant 1152 : i32
    %dma_start3A_338 = tpu.memref_slice %arg18[%dma_start3A_337] : memref<2048xf32, #tpu.memory_space<vmem>> -> memref<128xf32, #tpu.memory_space<vmem>>
    %dma_start3A_339 = arith.constant 1152 : i32
    %dma_start3A_340 = tpu.memref_slice %arg14[%dma_start3A_339] : memref<2048xi32, #tpu.memory_space<vmem>> -> memref<128xi32, #tpu.memory_space<vmem>>
    %dma_start3A_341 = arith.constant 0 : i32
    %dma_start3A_342 = tpu.memref_slice %arg4[%dma_start3A_341] : memref<1024xf32, #tpu.memory_space<hbm>> -> memref<1024xf32, #tpu.memory_space<hbm>>
    tpu.enqueue_indirect_dma source(%dma_start3A_342 : memref<1024xf32, #tpu.memory_space<hbm>>) target(%dma_start3A_338 : memref<128xf32, #tpu.memory_space<vmem>>) offsets(%dma_start3A_340 : memref<128xi32, #tpu.memory_space<vmem>>) semaphore(%arg26 : memref<!tpu.dma_semaphore, #tpu.memory_space<semaphore_mem>>)
    %dma_wait3A_343 = arith.constant 1152 : i32
    %dma_wait3A_344 = tpu.memref_slice %arg16[%dma_wait3A_343] : memref<2048xf32, #tpu.memory_space<vmem>> -> memref<128xf32, #tpu.memory_space<vmem>>
    %dma_wait3A_345 = arith.constant 1152 : i32
    %dma_wait3A_346 = tpu.memref_slice %arg14[%dma_wait3A_345] : memref<2048xi32, #tpu.memory_space<vmem>> -> memref<128xi32, #tpu.memory_space<vmem>>
    %dma_wait3A_347 = arith.constant 0 : i32
    %dma_wait3A_348 = tpu.memref_slice %arg2[%dma_wait3A_347] : memref<1024xf32, #tpu.memory_space<hbm>> -> memref<1024xf32, #tpu.memory_space<hbm>>
    tpu.wait_indirect_dma semaphore(%arg26 : memref<!tpu.dma_semaphore, #tpu.memory_space<semaphore_mem>>) src(%dma_wait3A_348 : memref<1024xf32, #tpu.memory_space<hbm>>) dst(%dma_wait3A_344 : memref<128xf32, #tpu.memory_space<vmem>>)
    %dma_wait3A_349 = arith.constant 1152 : i32
    %dma_wait3A_350 = tpu.memref_slice %arg17[%dma_wait3A_349] : memref<2048xf32, #tpu.memory_space<vmem>> -> memref<128xf32, #tpu.memory_space<vmem>>
    %dma_wait3A_351 = arith.constant 1152 : i32
    %dma_wait3A_352 = tpu.memref_slice %arg14[%dma_wait3A_351] : memref<2048xi32, #tpu.memory_space<vmem>> -> memref<128xi32, #tpu.memory_space<vmem>>
    %dma_wait3A_353 = arith.constant 0 : i32
    %dma_wait3A_354 = tpu.memref_slice %arg3[%dma_wait3A_353] : memref<1024xf32, #tpu.memory_space<hbm>> -> memref<1024xf32, #tpu.memory_space<hbm>>
    tpu.wait_indirect_dma semaphore(%arg26 : memref<!tpu.dma_semaphore, #tpu.memory_space<semaphore_mem>>) src(%dma_wait3A_354 : memref<1024xf32, #tpu.memory_space<hbm>>) dst(%dma_wait3A_350 : memref<128xf32, #tpu.memory_space<vmem>>)
    %dma_wait3A_355 = arith.constant 1152 : i32
    %dma_wait3A_356 = tpu.memref_slice %arg18[%dma_wait3A_355] : memref<2048xf32, #tpu.memory_space<vmem>> -> memref<128xf32, #tpu.memory_space<vmem>>
    %dma_wait3A_357 = arith.constant 1152 : i32
    %dma_wait3A_358 = tpu.memref_slice %arg14[%dma_wait3A_357] : memref<2048xi32, #tpu.memory_space<vmem>> -> memref<128xi32, #tpu.memory_space<vmem>>
    %dma_wait3A_359 = arith.constant 0 : i32
    %dma_wait3A_360 = tpu.memref_slice %arg4[%dma_wait3A_359] : memref<1024xf32, #tpu.memory_space<hbm>> -> memref<1024xf32, #tpu.memory_space<hbm>>
    tpu.wait_indirect_dma semaphore(%arg26 : memref<!tpu.dma_semaphore, #tpu.memory_space<semaphore_mem>>) src(%dma_wait3A_360 : memref<1024xf32, #tpu.memory_space<hbm>>) dst(%dma_wait3A_356 : memref<128xf32, #tpu.memory_space<vmem>>)
    %dma_start3A_361 = arith.constant 1280 : i32
    %dma_start3A_362 = tpu.memref_slice %arg16[%dma_start3A_361] : memref<2048xf32, #tpu.memory_space<vmem>> -> memref<128xf32, #tpu.memory_space<vmem>>
    %dma_start3A_363 = arith.constant 1280 : i32
    %dma_start3A_364 = tpu.memref_slice %arg14[%dma_start3A_363] : memref<2048xi32, #tpu.memory_space<vmem>> -> memref<128xi32, #tpu.memory_space<vmem>>
    %dma_start3A_365 = arith.constant 0 : i32
    %dma_start3A_366 = tpu.memref_slice %arg2[%dma_start3A_365] : memref<1024xf32, #tpu.memory_space<hbm>> -> memref<1024xf32, #tpu.memory_space<hbm>>
    tpu.enqueue_indirect_dma source(%dma_start3A_366 : memref<1024xf32, #tpu.memory_space<hbm>>) target(%dma_start3A_362 : memref<128xf32, #tpu.memory_space<vmem>>) offsets(%dma_start3A_364 : memref<128xi32, #tpu.memory_space<vmem>>) semaphore(%arg26 : memref<!tpu.dma_semaphore, #tpu.memory_space<semaphore_mem>>)
    %dma_start3A_367 = arith.constant 1280 : i32
    %dma_start3A_368 = tpu.memref_slice %arg17[%dma_start3A_367] : memref<2048xf32, #tpu.memory_space<vmem>> -> memref<128xf32, #tpu.memory_space<vmem>>
    %dma_start3A_369 = arith.constant 1280 : i32
    %dma_start3A_370 = tpu.memref_slice %arg14[%dma_start3A_369] : memref<2048xi32, #tpu.memory_space<vmem>> -> memref<128xi32, #tpu.memory_space<vmem>>
    %dma_start3A_371 = arith.constant 0 : i32
    %dma_start3A_372 = tpu.memref_slice %arg3[%dma_start3A_371] : memref<1024xf32, #tpu.memory_space<hbm>> -> memref<1024xf32, #tpu.memory_space<hbm>>
    tpu.enqueue_indirect_dma source(%dma_start3A_372 : memref<1024xf32, #tpu.memory_space<hbm>>) target(%dma_start3A_368 : memref<128xf32, #tpu.memory_space<vmem>>) offsets(%dma_start3A_370 : memref<128xi32, #tpu.memory_space<vmem>>) semaphore(%arg26 : memref<!tpu.dma_semaphore, #tpu.memory_space<semaphore_mem>>)
    %dma_start3A_373 = arith.constant 1280 : i32
    %dma_start3A_374 = tpu.memref_slice %arg18[%dma_start3A_373] : memref<2048xf32, #tpu.memory_space<vmem>> -> memref<128xf32, #tpu.memory_space<vmem>>
    %dma_start3A_375 = arith.constant 1280 : i32
    %dma_start3A_376 = tpu.memref_slice %arg14[%dma_start3A_375] : memref<2048xi32, #tpu.memory_space<vmem>> -> memref<128xi32, #tpu.memory_space<vmem>>
    %dma_start3A_377 = arith.constant 0 : i32
    %dma_start3A_378 = tpu.memref_slice %arg4[%dma_start3A_377] : memref<1024xf32, #tpu.memory_space<hbm>> -> memref<1024xf32, #tpu.memory_space<hbm>>
    tpu.enqueue_indirect_dma source(%dma_start3A_378 : memref<1024xf32, #tpu.memory_space<hbm>>) target(%dma_start3A_374 : memref<128xf32, #tpu.memory_space<vmem>>) offsets(%dma_start3A_376 : memref<128xi32, #tpu.memory_space<vmem>>) semaphore(%arg26 : memref<!tpu.dma_semaphore, #tpu.memory_space<semaphore_mem>>)
    %dma_wait3A_379 = arith.constant 1280 : i32
    %dma_wait3A_380 = tpu.memref_slice %arg16[%dma_wait3A_379] : memref<2048xf32, #tpu.memory_space<vmem>> -> memref<128xf32, #tpu.memory_space<vmem>>
    %dma_wait3A_381 = arith.constant 1280 : i32
    %dma_wait3A_382 = tpu.memref_slice %arg14[%dma_wait3A_381] : memref<2048xi32, #tpu.memory_space<vmem>> -> memref<128xi32, #tpu.memory_space<vmem>>
    %dma_wait3A_383 = arith.constant 0 : i32
    %dma_wait3A_384 = tpu.memref_slice %arg2[%dma_wait3A_383] : memref<1024xf32, #tpu.memory_space<hbm>> -> memref<1024xf32, #tpu.memory_space<hbm>>
    tpu.wait_indirect_dma semaphore(%arg26 : memref<!tpu.dma_semaphore, #tpu.memory_space<semaphore_mem>>) src(%dma_wait3A_384 : memref<1024xf32, #tpu.memory_space<hbm>>) dst(%dma_wait3A_380 : memref<128xf32, #tpu.memory_space<vmem>>)
    %dma_wait3A_385 = arith.constant 1280 : i32
    %dma_wait3A_386 = tpu.memref_slice %arg17[%dma_wait3A_385] : memref<2048xf32, #tpu.memory_space<vmem>> -> memref<128xf32, #tpu.memory_space<vmem>>
    %dma_wait3A_387 = arith.constant 1280 : i32
    %dma_wait3A_388 = tpu.memref_slice %arg14[%dma_wait3A_387] : memref<2048xi32, #tpu.memory_space<vmem>> -> memref<128xi32, #tpu.memory_space<vmem>>
    %dma_wait3A_389 = arith.constant 0 : i32
    %dma_wait3A_390 = tpu.memref_slice %arg3[%dma_wait3A_389] : memref<1024xf32, #tpu.memory_space<hbm>> -> memref<1024xf32, #tpu.memory_space<hbm>>
    tpu.wait_indirect_dma semaphore(%arg26 : memref<!tpu.dma_semaphore, #tpu.memory_space<semaphore_mem>>) src(%dma_wait3A_390 : memref<1024xf32, #tpu.memory_space<hbm>>) dst(%dma_wait3A_386 : memref<128xf32, #tpu.memory_space<vmem>>)
    %dma_wait3A_391 = arith.constant 1280 : i32
    %dma_wait3A_392 = tpu.memref_slice %arg18[%dma_wait3A_391] : memref<2048xf32, #tpu.memory_space<vmem>> -> memref<128xf32, #tpu.memory_space<vmem>>
    %dma_wait3A_393 = arith.constant 1280 : i32
    %dma_wait3A_394 = tpu.memref_slice %arg14[%dma_wait3A_393] : memref<2048xi32, #tpu.memory_space<vmem>> -> memref<128xi32, #tpu.memory_space<vmem>>
    %dma_wait3A_395 = arith.constant 0 : i32
    %dma_wait3A_396 = tpu.memref_slice %arg4[%dma_wait3A_395] : memref<1024xf32, #tpu.memory_space<hbm>> -> memref<1024xf32, #tpu.memory_space<hbm>>
    tpu.wait_indirect_dma semaphore(%arg26 : memref<!tpu.dma_semaphore, #tpu.memory_space<semaphore_mem>>) src(%dma_wait3A_396 : memref<1024xf32, #tpu.memory_space<hbm>>) dst(%dma_wait3A_392 : memref<128xf32, #tpu.memory_space<vmem>>)
    %dma_start3A_397 = arith.constant 1408 : i32
    %dma_start3A_398 = tpu.memref_slice %arg16[%dma_start3A_397] : memref<2048xf32, #tpu.memory_space<vmem>> -> memref<128xf32, #tpu.memory_space<vmem>>
    %dma_start3A_399 = arith.constant 1408 : i32
    %dma_start3A_400 = tpu.memref_slice %arg14[%dma_start3A_399] : memref<2048xi32, #tpu.memory_space<vmem>> -> memref<128xi32, #tpu.memory_space<vmem>>
    %dma_start3A_401 = arith.constant 0 : i32
    %dma_start3A_402 = tpu.memref_slice %arg2[%dma_start3A_401] : memref<1024xf32, #tpu.memory_space<hbm>> -> memref<1024xf32, #tpu.memory_space<hbm>>
    tpu.enqueue_indirect_dma source(%dma_start3A_402 : memref<1024xf32, #tpu.memory_space<hbm>>) target(%dma_start3A_398 : memref<128xf32, #tpu.memory_space<vmem>>) offsets(%dma_start3A_400 : memref<128xi32, #tpu.memory_space<vmem>>) semaphore(%arg26 : memref<!tpu.dma_semaphore, #tpu.memory_space<semaphore_mem>>)
    %dma_start3A_403 = arith.constant 1408 : i32
    %dma_start3A_404 = tpu.memref_slice %arg17[%dma_start3A_403] : memref<2048xf32, #tpu.memory_space<vmem>> -> memref<128xf32, #tpu.memory_space<vmem>>
    %dma_start3A_405 = arith.constant 1408 : i32
    %dma_start3A_406 = tpu.memref_slice %arg14[%dma_start3A_405] : memref<2048xi32, #tpu.memory_space<vmem>> -> memref<128xi32, #tpu.memory_space<vmem>>
    %dma_start3A_407 = arith.constant 0 : i32
    %dma_start3A_408 = tpu.memref_slice %arg3[%dma_start3A_407] : memref<1024xf32, #tpu.memory_space<hbm>> -> memref<1024xf32, #tpu.memory_space<hbm>>
    tpu.enqueue_indirect_dma source(%dma_start3A_408 : memref<1024xf32, #tpu.memory_space<hbm>>) target(%dma_start3A_404 : memref<128xf32, #tpu.memory_space<vmem>>) offsets(%dma_start3A_406 : memref<128xi32, #tpu.memory_space<vmem>>) semaphore(%arg26 : memref<!tpu.dma_semaphore, #tpu.memory_space<semaphore_mem>>)
    %dma_start3A_409 = arith.constant 1408 : i32
    %dma_start3A_410 = tpu.memref_slice %arg18[%dma_start3A_409] : memref<2048xf32, #tpu.memory_space<vmem>> -> memref<128xf32, #tpu.memory_space<vmem>>
    %dma_start3A_411 = arith.constant 1408 : i32
    %dma_start3A_412 = tpu.memref_slice %arg14[%dma_start3A_411] : memref<2048xi32, #tpu.memory_space<vmem>> -> memref<128xi32, #tpu.memory_space<vmem>>
    %dma_start3A_413 = arith.constant 0 : i32
    %dma_start3A_414 = tpu.memref_slice %arg4[%dma_start3A_413] : memref<1024xf32, #tpu.memory_space<hbm>> -> memref<1024xf32, #tpu.memory_space<hbm>>
    tpu.enqueue_indirect_dma source(%dma_start3A_414 : memref<1024xf32, #tpu.memory_space<hbm>>) target(%dma_start3A_410 : memref<128xf32, #tpu.memory_space<vmem>>) offsets(%dma_start3A_412 : memref<128xi32, #tpu.memory_space<vmem>>) semaphore(%arg26 : memref<!tpu.dma_semaphore, #tpu.memory_space<semaphore_mem>>)
    %dma_wait3A_415 = arith.constant 1408 : i32
    %dma_wait3A_416 = tpu.memref_slice %arg16[%dma_wait3A_415] : memref<2048xf32, #tpu.memory_space<vmem>> -> memref<128xf32, #tpu.memory_space<vmem>>
    %dma_wait3A_417 = arith.constant 1408 : i32
    %dma_wait3A_418 = tpu.memref_slice %arg14[%dma_wait3A_417] : memref<2048xi32, #tpu.memory_space<vmem>> -> memref<128xi32, #tpu.memory_space<vmem>>
    %dma_wait3A_419 = arith.constant 0 : i32
    %dma_wait3A_420 = tpu.memref_slice %arg2[%dma_wait3A_419] : memref<1024xf32, #tpu.memory_space<hbm>> -> memref<1024xf32, #tpu.memory_space<hbm>>
    tpu.wait_indirect_dma semaphore(%arg26 : memref<!tpu.dma_semaphore, #tpu.memory_space<semaphore_mem>>) src(%dma_wait3A_420 : memref<1024xf32, #tpu.memory_space<hbm>>) dst(%dma_wait3A_416 : memref<128xf32, #tpu.memory_space<vmem>>)
    %dma_wait3A_421 = arith.constant 1408 : i32
    %dma_wait3A_422 = tpu.memref_slice %arg17[%dma_wait3A_421] : memref<2048xf32, #tpu.memory_space<vmem>> -> memref<128xf32, #tpu.memory_space<vmem>>
    %dma_wait3A_423 = arith.constant 1408 : i32
    %dma_wait3A_424 = tpu.memref_slice %arg14[%dma_wait3A_423] : memref<2048xi32, #tpu.memory_space<vmem>> -> memref<128xi32, #tpu.memory_space<vmem>>
    %dma_wait3A_425 = arith.constant 0 : i32
    %dma_wait3A_426 = tpu.memref_slice %arg3[%dma_wait3A_425] : memref<1024xf32, #tpu.memory_space<hbm>> -> memref<1024xf32, #tpu.memory_space<hbm>>
    tpu.wait_indirect_dma semaphore(%arg26 : memref<!tpu.dma_semaphore, #tpu.memory_space<semaphore_mem>>) src(%dma_wait3A_426 : memref<1024xf32, #tpu.memory_space<hbm>>) dst(%dma_wait3A_422 : memref<128xf32, #tpu.memory_space<vmem>>)
    %dma_wait3A_427 = arith.constant 1408 : i32
    %dma_wait3A_428 = tpu.memref_slice %arg18[%dma_wait3A_427] : memref<2048xf32, #tpu.memory_space<vmem>> -> memref<128xf32, #tpu.memory_space<vmem>>
    %dma_wait3A_429 = arith.constant 1408 : i32
    %dma_wait3A_430 = tpu.memref_slice %arg14[%dma_wait3A_429] : memref<2048xi32, #tpu.memory_space<vmem>> -> memref<128xi32, #tpu.memory_space<vmem>>
    %dma_wait3A_431 = arith.constant 0 : i32
    %dma_wait3A_432 = tpu.memref_slice %arg4[%dma_wait3A_431] : memref<1024xf32, #tpu.memory_space<hbm>> -> memref<1024xf32, #tpu.memory_space<hbm>>
    tpu.wait_indirect_dma semaphore(%arg26 : memref<!tpu.dma_semaphore, #tpu.memory_space<semaphore_mem>>) src(%dma_wait3A_432 : memref<1024xf32, #tpu.memory_space<hbm>>) dst(%dma_wait3A_428 : memref<128xf32, #tpu.memory_space<vmem>>)
    %dma_start3A_433 = arith.constant 1536 : i32
    %dma_start3A_434 = tpu.memref_slice %arg16[%dma_start3A_433] : memref<2048xf32, #tpu.memory_space<vmem>> -> memref<128xf32, #tpu.memory_space<vmem>>
    %dma_start3A_435 = arith.constant 1536 : i32
    %dma_start3A_436 = tpu.memref_slice %arg14[%dma_start3A_435] : memref<2048xi32, #tpu.memory_space<vmem>> -> memref<128xi32, #tpu.memory_space<vmem>>
    %dma_start3A_437 = arith.constant 0 : i32
    %dma_start3A_438 = tpu.memref_slice %arg2[%dma_start3A_437] : memref<1024xf32, #tpu.memory_space<hbm>> -> memref<1024xf32, #tpu.memory_space<hbm>>
    tpu.enqueue_indirect_dma source(%dma_start3A_438 : memref<1024xf32, #tpu.memory_space<hbm>>) target(%dma_start3A_434 : memref<128xf32, #tpu.memory_space<vmem>>) offsets(%dma_start3A_436 : memref<128xi32, #tpu.memory_space<vmem>>) semaphore(%arg26 : memref<!tpu.dma_semaphore, #tpu.memory_space<semaphore_mem>>)
    %dma_start3A_439 = arith.constant 1536 : i32
    %dma_start3A_440 = tpu.memref_slice %arg17[%dma_start3A_439] : memref<2048xf32, #tpu.memory_space<vmem>> -> memref<128xf32, #tpu.memory_space<vmem>>
    %dma_start3A_441 = arith.constant 1536 : i32
    %dma_start3A_442 = tpu.memref_slice %arg14[%dma_start3A_441] : memref<2048xi32, #tpu.memory_space<vmem>> -> memref<128xi32, #tpu.memory_space<vmem>>
    %dma_start3A_443 = arith.constant 0 : i32
    %dma_start3A_444 = tpu.memref_slice %arg3[%dma_start3A_443] : memref<1024xf32, #tpu.memory_space<hbm>> -> memref<1024xf32, #tpu.memory_space<hbm>>
    tpu.enqueue_indirect_dma source(%dma_start3A_444 : memref<1024xf32, #tpu.memory_space<hbm>>) target(%dma_start3A_440 : memref<128xf32, #tpu.memory_space<vmem>>) offsets(%dma_start3A_442 : memref<128xi32, #tpu.memory_space<vmem>>) semaphore(%arg26 : memref<!tpu.dma_semaphore, #tpu.memory_space<semaphore_mem>>)
    %dma_start3A_445 = arith.constant 1536 : i32
    %dma_start3A_446 = tpu.memref_slice %arg18[%dma_start3A_445] : memref<2048xf32, #tpu.memory_space<vmem>> -> memref<128xf32, #tpu.memory_space<vmem>>
    %dma_start3A_447 = arith.constant 1536 : i32
    %dma_start3A_448 = tpu.memref_slice %arg14[%dma_start3A_447] : memref<2048xi32, #tpu.memory_space<vmem>> -> memref<128xi32, #tpu.memory_space<vmem>>
    %dma_start3A_449 = arith.constant 0 : i32
    %dma_start3A_450 = tpu.memref_slice %arg4[%dma_start3A_449] : memref<1024xf32, #tpu.memory_space<hbm>> -> memref<1024xf32, #tpu.memory_space<hbm>>
    tpu.enqueue_indirect_dma source(%dma_start3A_450 : memref<1024xf32, #tpu.memory_space<hbm>>) target(%dma_start3A_446 : memref<128xf32, #tpu.memory_space<vmem>>) offsets(%dma_start3A_448 : memref<128xi32, #tpu.memory_space<vmem>>) semaphore(%arg26 : memref<!tpu.dma_semaphore, #tpu.memory_space<semaphore_mem>>)
    %dma_wait3A_451 = arith.constant 1536 : i32
    %dma_wait3A_452 = tpu.memref_slice %arg16[%dma_wait3A_451] : memref<2048xf32, #tpu.memory_space<vmem>> -> memref<128xf32, #tpu.memory_space<vmem>>
    %dma_wait3A_453 = arith.constant 1536 : i32
    %dma_wait3A_454 = tpu.memref_slice %arg14[%dma_wait3A_453] : memref<2048xi32, #tpu.memory_space<vmem>> -> memref<128xi32, #tpu.memory_space<vmem>>
    %dma_wait3A_455 = arith.constant 0 : i32
    %dma_wait3A_456 = tpu.memref_slice %arg2[%dma_wait3A_455] : memref<1024xf32, #tpu.memory_space<hbm>> -> memref<1024xf32, #tpu.memory_space<hbm>>
    tpu.wait_indirect_dma semaphore(%arg26 : memref<!tpu.dma_semaphore, #tpu.memory_space<semaphore_mem>>) src(%dma_wait3A_456 : memref<1024xf32, #tpu.memory_space<hbm>>) dst(%dma_wait3A_452 : memref<128xf32, #tpu.memory_space<vmem>>)
    %dma_wait3A_457 = arith.constant 1536 : i32
    %dma_wait3A_458 = tpu.memref_slice %arg17[%dma_wait3A_457] : memref<2048xf32, #tpu.memory_space<vmem>> -> memref<128xf32, #tpu.memory_space<vmem>>
    %dma_wait3A_459 = arith.constant 1536 : i32
    %dma_wait3A_460 = tpu.memref_slice %arg14[%dma_wait3A_459] : memref<2048xi32, #tpu.memory_space<vmem>> -> memref<128xi32, #tpu.memory_space<vmem>>
    %dma_wait3A_461 = arith.constant 0 : i32
    %dma_wait3A_462 = tpu.memref_slice %arg3[%dma_wait3A_461] : memref<1024xf32, #tpu.memory_space<hbm>> -> memref<1024xf32, #tpu.memory_space<hbm>>
    tpu.wait_indirect_dma semaphore(%arg26 : memref<!tpu.dma_semaphore, #tpu.memory_space<semaphore_mem>>) src(%dma_wait3A_462 : memref<1024xf32, #tpu.memory_space<hbm>>) dst(%dma_wait3A_458 : memref<128xf32, #tpu.memory_space<vmem>>)
    %dma_wait3A_463 = arith.constant 1536 : i32
    %dma_wait3A_464 = tpu.memref_slice %arg18[%dma_wait3A_463] : memref<2048xf32, #tpu.memory_space<vmem>> -> memref<128xf32, #tpu.memory_space<vmem>>
    %dma_wait3A_465 = arith.constant 1536 : i32
    %dma_wait3A_466 = tpu.memref_slice %arg14[%dma_wait3A_465] : memref<2048xi32, #tpu.memory_space<vmem>> -> memref<128xi32, #tpu.memory_space<vmem>>
    %dma_wait3A_467 = arith.constant 0 : i32
    %dma_wait3A_468 = tpu.memref_slice %arg4[%dma_wait3A_467] : memref<1024xf32, #tpu.memory_space<hbm>> -> memref<1024xf32, #tpu.memory_space<hbm>>
    tpu.wait_indirect_dma semaphore(%arg26 : memref<!tpu.dma_semaphore, #tpu.memory_space<semaphore_mem>>) src(%dma_wait3A_468 : memref<1024xf32, #tpu.memory_space<hbm>>) dst(%dma_wait3A_464 : memref<128xf32, #tpu.memory_space<vmem>>)
    %dma_start3A_469 = arith.constant 1664 : i32
    %dma_start3A_470 = tpu.memref_slice %arg16[%dma_start3A_469] : memref<2048xf32, #tpu.memory_space<vmem>> -> memref<128xf32, #tpu.memory_space<vmem>>
    %dma_start3A_471 = arith.constant 1664 : i32
    %dma_start3A_472 = tpu.memref_slice %arg14[%dma_start3A_471] : memref<2048xi32, #tpu.memory_space<vmem>> -> memref<128xi32, #tpu.memory_space<vmem>>
    %dma_start3A_473 = arith.constant 0 : i32
    %dma_start3A_474 = tpu.memref_slice %arg2[%dma_start3A_473] : memref<1024xf32, #tpu.memory_space<hbm>> -> memref<1024xf32, #tpu.memory_space<hbm>>
    tpu.enqueue_indirect_dma source(%dma_start3A_474 : memref<1024xf32, #tpu.memory_space<hbm>>) target(%dma_start3A_470 : memref<128xf32, #tpu.memory_space<vmem>>) offsets(%dma_start3A_472 : memref<128xi32, #tpu.memory_space<vmem>>) semaphore(%arg26 : memref<!tpu.dma_semaphore, #tpu.memory_space<semaphore_mem>>)
    %dma_start3A_475 = arith.constant 1664 : i32
    %dma_start3A_476 = tpu.memref_slice %arg17[%dma_start3A_475] : memref<2048xf32, #tpu.memory_space<vmem>> -> memref<128xf32, #tpu.memory_space<vmem>>
    %dma_start3A_477 = arith.constant 1664 : i32
    %dma_start3A_478 = tpu.memref_slice %arg14[%dma_start3A_477] : memref<2048xi32, #tpu.memory_space<vmem>> -> memref<128xi32, #tpu.memory_space<vmem>>
    %dma_start3A_479 = arith.constant 0 : i32
    %dma_start3A_480 = tpu.memref_slice %arg3[%dma_start3A_479] : memref<1024xf32, #tpu.memory_space<hbm>> -> memref<1024xf32, #tpu.memory_space<hbm>>
    tpu.enqueue_indirect_dma source(%dma_start3A_480 : memref<1024xf32, #tpu.memory_space<hbm>>) target(%dma_start3A_476 : memref<128xf32, #tpu.memory_space<vmem>>) offsets(%dma_start3A_478 : memref<128xi32, #tpu.memory_space<vmem>>) semaphore(%arg26 : memref<!tpu.dma_semaphore, #tpu.memory_space<semaphore_mem>>)
    %dma_start3A_481 = arith.constant 1664 : i32
    %dma_start3A_482 = tpu.memref_slice %arg18[%dma_start3A_481] : memref<2048xf32, #tpu.memory_space<vmem>> -> memref<128xf32, #tpu.memory_space<vmem>>
    %dma_start3A_483 = arith.constant 1664 : i32
    %dma_start3A_484 = tpu.memref_slice %arg14[%dma_start3A_483] : memref<2048xi32, #tpu.memory_space<vmem>> -> memref<128xi32, #tpu.memory_space<vmem>>
    %dma_start3A_485 = arith.constant 0 : i32
    %dma_start3A_486 = tpu.memref_slice %arg4[%dma_start3A_485] : memref<1024xf32, #tpu.memory_space<hbm>> -> memref<1024xf32, #tpu.memory_space<hbm>>
    tpu.enqueue_indirect_dma source(%dma_start3A_486 : memref<1024xf32, #tpu.memory_space<hbm>>) target(%dma_start3A_482 : memref<128xf32, #tpu.memory_space<vmem>>) offsets(%dma_start3A_484 : memref<128xi32, #tpu.memory_space<vmem>>) semaphore(%arg26 : memref<!tpu.dma_semaphore, #tpu.memory_space<semaphore_mem>>)
    %dma_wait3A_487 = arith.constant 1664 : i32
    %dma_wait3A_488 = tpu.memref_slice %arg16[%dma_wait3A_487] : memref<2048xf32, #tpu.memory_space<vmem>> -> memref<128xf32, #tpu.memory_space<vmem>>
    %dma_wait3A_489 = arith.constant 1664 : i32
    %dma_wait3A_490 = tpu.memref_slice %arg14[%dma_wait3A_489] : memref<2048xi32, #tpu.memory_space<vmem>> -> memref<128xi32, #tpu.memory_space<vmem>>
    %dma_wait3A_491 = arith.constant 0 : i32
    %dma_wait3A_492 = tpu.memref_slice %arg2[%dma_wait3A_491] : memref<1024xf32, #tpu.memory_space<hbm>> -> memref<1024xf32, #tpu.memory_space<hbm>>
    tpu.wait_indirect_dma semaphore(%arg26 : memref<!tpu.dma_semaphore, #tpu.memory_space<semaphore_mem>>) src(%dma_wait3A_492 : memref<1024xf32, #tpu.memory_space<hbm>>) dst(%dma_wait3A_488 : memref<128xf32, #tpu.memory_space<vmem>>)
    %dma_wait3A_493 = arith.constant 1664 : i32
    %dma_wait3A_494 = tpu.memref_slice %arg17[%dma_wait3A_493] : memref<2048xf32, #tpu.memory_space<vmem>> -> memref<128xf32, #tpu.memory_space<vmem>>
    %dma_wait3A_495 = arith.constant 1664 : i32
    %dma_wait3A_496 = tpu.memref_slice %arg14[%dma_wait3A_495] : memref<2048xi32, #tpu.memory_space<vmem>> -> memref<128xi32, #tpu.memory_space<vmem>>
    %dma_wait3A_497 = arith.constant 0 : i32
    %dma_wait3A_498 = tpu.memref_slice %arg3[%dma_wait3A_497] : memref<1024xf32, #tpu.memory_space<hbm>> -> memref<1024xf32, #tpu.memory_space<hbm>>
    tpu.wait_indirect_dma semaphore(%arg26 : memref<!tpu.dma_semaphore, #tpu.memory_space<semaphore_mem>>) src(%dma_wait3A_498 : memref<1024xf32, #tpu.memory_space<hbm>>) dst(%dma_wait3A_494 : memref<128xf32, #tpu.memory_space<vmem>>)
    %dma_wait3A_499 = arith.constant 1664 : i32
    %dma_wait3A_500 = tpu.memref_slice %arg18[%dma_wait3A_499] : memref<2048xf32, #tpu.memory_space<vmem>> -> memref<128xf32, #tpu.memory_space<vmem>>
    %dma_wait3A_501 = arith.constant 1664 : i32
    %dma_wait3A_502 = tpu.memref_slice %arg14[%dma_wait3A_501] : memref<2048xi32, #tpu.memory_space<vmem>> -> memref<128xi32, #tpu.memory_space<vmem>>
    %dma_wait3A_503 = arith.constant 0 : i32
    %dma_wait3A_504 = tpu.memref_slice %arg4[%dma_wait3A_503] : memref<1024xf32, #tpu.memory_space<hbm>> -> memref<1024xf32, #tpu.memory_space<hbm>>
    tpu.wait_indirect_dma semaphore(%arg26 : memref<!tpu.dma_semaphore, #tpu.memory_space<semaphore_mem>>) src(%dma_wait3A_504 : memref<1024xf32, #tpu.memory_space<hbm>>) dst(%dma_wait3A_500 : memref<128xf32, #tpu.memory_space<vmem>>)
    %dma_start3A_505 = arith.constant 1792 : i32
    %dma_start3A_506 = tpu.memref_slice %arg16[%dma_start3A_505] : memref<2048xf32, #tpu.memory_space<vmem>> -> memref<128xf32, #tpu.memory_space<vmem>>
    %dma_start3A_507 = arith.constant 1792 : i32
    %dma_start3A_508 = tpu.memref_slice %arg14[%dma_start3A_507] : memref<2048xi32, #tpu.memory_space<vmem>> -> memref<128xi32, #tpu.memory_space<vmem>>
    %dma_start3A_509 = arith.constant 0 : i32
    %dma_start3A_510 = tpu.memref_slice %arg2[%dma_start3A_509] : memref<1024xf32, #tpu.memory_space<hbm>> -> memref<1024xf32, #tpu.memory_space<hbm>>
    tpu.enqueue_indirect_dma source(%dma_start3A_510 : memref<1024xf32, #tpu.memory_space<hbm>>) target(%dma_start3A_506 : memref<128xf32, #tpu.memory_space<vmem>>) offsets(%dma_start3A_508 : memref<128xi32, #tpu.memory_space<vmem>>) semaphore(%arg26 : memref<!tpu.dma_semaphore, #tpu.memory_space<semaphore_mem>>)
    %dma_start3A_511 = arith.constant 1792 : i32
    %dma_start3A_512 = tpu.memref_slice %arg17[%dma_start3A_511] : memref<2048xf32, #tpu.memory_space<vmem>> -> memref<128xf32, #tpu.memory_space<vmem>>
    %dma_start3A_513 = arith.constant 1792 : i32
    %dma_start3A_514 = tpu.memref_slice %arg14[%dma_start3A_513] : memref<2048xi32, #tpu.memory_space<vmem>> -> memref<128xi32, #tpu.memory_space<vmem>>
    %dma_start3A_515 = arith.constant 0 : i32
    %dma_start3A_516 = tpu.memref_slice %arg3[%dma_start3A_515] : memref<1024xf32, #tpu.memory_space<hbm>> -> memref<1024xf32, #tpu.memory_space<hbm>>
    tpu.enqueue_indirect_dma source(%dma_start3A_516 : memref<1024xf32, #tpu.memory_space<hbm>>) target(%dma_start3A_512 : memref<128xf32, #tpu.memory_space<vmem>>) offsets(%dma_start3A_514 : memref<128xi32, #tpu.memory_space<vmem>>) semaphore(%arg26 : memref<!tpu.dma_semaphore, #tpu.memory_space<semaphore_mem>>)
    %dma_start3A_517 = arith.constant 1792 : i32
    %dma_start3A_518 = tpu.memref_slice %arg18[%dma_start3A_517] : memref<2048xf32, #tpu.memory_space<vmem>> -> memref<128xf32, #tpu.memory_space<vmem>>
    %dma_start3A_519 = arith.constant 1792 : i32
    %dma_start3A_520 = tpu.memref_slice %arg14[%dma_start3A_519] : memref<2048xi32, #tpu.memory_space<vmem>> -> memref<128xi32, #tpu.memory_space<vmem>>
    %dma_start3A_521 = arith.constant 0 : i32
    %dma_start3A_522 = tpu.memref_slice %arg4[%dma_start3A_521] : memref<1024xf32, #tpu.memory_space<hbm>> -> memref<1024xf32, #tpu.memory_space<hbm>>
    tpu.enqueue_indirect_dma source(%dma_start3A_522 : memref<1024xf32, #tpu.memory_space<hbm>>) target(%dma_start3A_518 : memref<128xf32, #tpu.memory_space<vmem>>) offsets(%dma_start3A_520 : memref<128xi32, #tpu.memory_space<vmem>>) semaphore(%arg26 : memref<!tpu.dma_semaphore, #tpu.memory_space<semaphore_mem>>)
    %dma_wait3A_523 = arith.constant 1792 : i32
    %dma_wait3A_524 = tpu.memref_slice %arg16[%dma_wait3A_523] : memref<2048xf32, #tpu.memory_space<vmem>> -> memref<128xf32, #tpu.memory_space<vmem>>
    %dma_wait3A_525 = arith.constant 1792 : i32
    %dma_wait3A_526 = tpu.memref_slice %arg14[%dma_wait3A_525] : memref<2048xi32, #tpu.memory_space<vmem>> -> memref<128xi32, #tpu.memory_space<vmem>>
    %dma_wait3A_527 = arith.constant 0 : i32
    %dma_wait3A_528 = tpu.memref_slice %arg2[%dma_wait3A_527] : memref<1024xf32, #tpu.memory_space<hbm>> -> memref<1024xf32, #tpu.memory_space<hbm>>
    tpu.wait_indirect_dma semaphore(%arg26 : memref<!tpu.dma_semaphore, #tpu.memory_space<semaphore_mem>>) src(%dma_wait3A_528 : memref<1024xf32, #tpu.memory_space<hbm>>) dst(%dma_wait3A_524 : memref<128xf32, #tpu.memory_space<vmem>>)
    %dma_wait3A_529 = arith.constant 1792 : i32
    %dma_wait3A_530 = tpu.memref_slice %arg17[%dma_wait3A_529] : memref<2048xf32, #tpu.memory_space<vmem>> -> memref<128xf32, #tpu.memory_space<vmem>>
    %dma_wait3A_531 = arith.constant 1792 : i32
    %dma_wait3A_532 = tpu.memref_slice %arg14[%dma_wait3A_531] : memref<2048xi32, #tpu.memory_space<vmem>> -> memref<128xi32, #tpu.memory_space<vmem>>
    %dma_wait3A_533 = arith.constant 0 : i32
    %dma_wait3A_534 = tpu.memref_slice %arg3[%dma_wait3A_533] : memref<1024xf32, #tpu.memory_space<hbm>> -> memref<1024xf32, #tpu.memory_space<hbm>>
    tpu.wait_indirect_dma semaphore(%arg26 : memref<!tpu.dma_semaphore, #tpu.memory_space<semaphore_mem>>) src(%dma_wait3A_534 : memref<1024xf32, #tpu.memory_space<hbm>>) dst(%dma_wait3A_530 : memref<128xf32, #tpu.memory_space<vmem>>)
    %dma_wait3A_535 = arith.constant 1792 : i32
    %dma_wait3A_536 = tpu.memref_slice %arg18[%dma_wait3A_535] : memref<2048xf32, #tpu.memory_space<vmem>> -> memref<128xf32, #tpu.memory_space<vmem>>
    %dma_wait3A_537 = arith.constant 1792 : i32
    %dma_wait3A_538 = tpu.memref_slice %arg14[%dma_wait3A_537] : memref<2048xi32, #tpu.memory_space<vmem>> -> memref<128xi32, #tpu.memory_space<vmem>>
    %dma_wait3A_539 = arith.constant 0 : i32
    %dma_wait3A_540 = tpu.memref_slice %arg4[%dma_wait3A_539] : memref<1024xf32, #tpu.memory_space<hbm>> -> memref<1024xf32, #tpu.memory_space<hbm>>
    tpu.wait_indirect_dma semaphore(%arg26 : memref<!tpu.dma_semaphore, #tpu.memory_space<semaphore_mem>>) src(%dma_wait3A_540 : memref<1024xf32, #tpu.memory_space<hbm>>) dst(%dma_wait3A_536 : memref<128xf32, #tpu.memory_space<vmem>>)
    %dma_start3A_541 = arith.constant 1920 : i32
    %dma_start3A_542 = tpu.memref_slice %arg16[%dma_start3A_541] : memref<2048xf32, #tpu.memory_space<vmem>> -> memref<128xf32, #tpu.memory_space<vmem>>
    %dma_start3A_543 = arith.constant 1920 : i32
    %dma_start3A_544 = tpu.memref_slice %arg14[%dma_start3A_543] : memref<2048xi32, #tpu.memory_space<vmem>> -> memref<128xi32, #tpu.memory_space<vmem>>
    %dma_start3A_545 = arith.constant 0 : i32
    %dma_start3A_546 = tpu.memref_slice %arg2[%dma_start3A_545] : memref<1024xf32, #tpu.memory_space<hbm>> -> memref<1024xf32, #tpu.memory_space<hbm>>
    tpu.enqueue_indirect_dma source(%dma_start3A_546 : memref<1024xf32, #tpu.memory_space<hbm>>) target(%dma_start3A_542 : memref<128xf32, #tpu.memory_space<vmem>>) offsets(%dma_start3A_544 : memref<128xi32, #tpu.memory_space<vmem>>) semaphore(%arg26 : memref<!tpu.dma_semaphore, #tpu.memory_space<semaphore_mem>>)
    %dma_start3A_547 = arith.constant 1920 : i32
    %dma_start3A_548 = tpu.memref_slice %arg17[%dma_start3A_547] : memref<2048xf32, #tpu.memory_space<vmem>> -> memref<128xf32, #tpu.memory_space<vmem>>
    %dma_start3A_549 = arith.constant 1920 : i32
    %dma_start3A_550 = tpu.memref_slice %arg14[%dma_start3A_549] : memref<2048xi32, #tpu.memory_space<vmem>> -> memref<128xi32, #tpu.memory_space<vmem>>
    %dma_start3A_551 = arith.constant 0 : i32
    %dma_start3A_552 = tpu.memref_slice %arg3[%dma_start3A_551] : memref<1024xf32, #tpu.memory_space<hbm>> -> memref<1024xf32, #tpu.memory_space<hbm>>
    tpu.enqueue_indirect_dma source(%dma_start3A_552 : memref<1024xf32, #tpu.memory_space<hbm>>) target(%dma_start3A_548 : memref<128xf32, #tpu.memory_space<vmem>>) offsets(%dma_start3A_550 : memref<128xi32, #tpu.memory_space<vmem>>) semaphore(%arg26 : memref<!tpu.dma_semaphore, #tpu.memory_space<semaphore_mem>>)
    %dma_start3A_553 = arith.constant 1920 : i32
    %dma_start3A_554 = tpu.memref_slice %arg18[%dma_start3A_553] : memref<2048xf32, #tpu.memory_space<vmem>> -> memref<128xf32, #tpu.memory_space<vmem>>
    %dma_start3A_555 = arith.constant 1920 : i32
    %dma_start3A_556 = tpu.memref_slice %arg14[%dma_start3A_555] : memref<2048xi32, #tpu.memory_space<vmem>> -> memref<128xi32, #tpu.memory_space<vmem>>
    %dma_start3A_557 = arith.constant 0 : i32
    %dma_start3A_558 = tpu.memref_slice %arg4[%dma_start3A_557] : memref<1024xf32, #tpu.memory_space<hbm>> -> memref<1024xf32, #tpu.memory_space<hbm>>
    tpu.enqueue_indirect_dma source(%dma_start3A_558 : memref<1024xf32, #tpu.memory_space<hbm>>) target(%dma_start3A_554 : memref<128xf32, #tpu.memory_space<vmem>>) offsets(%dma_start3A_556 : memref<128xi32, #tpu.memory_space<vmem>>) semaphore(%arg26 : memref<!tpu.dma_semaphore, #tpu.memory_space<semaphore_mem>>)
    %dma_wait3A_559 = arith.constant 1920 : i32
    %dma_wait3A_560 = tpu.memref_slice %arg16[%dma_wait3A_559] : memref<2048xf32, #tpu.memory_space<vmem>> -> memref<128xf32, #tpu.memory_space<vmem>>
    %dma_wait3A_561 = arith.constant 1920 : i32
    %dma_wait3A_562 = tpu.memref_slice %arg14[%dma_wait3A_561] : memref<2048xi32, #tpu.memory_space<vmem>> -> memref<128xi32, #tpu.memory_space<vmem>>
    %dma_wait3A_563 = arith.constant 0 : i32
    %dma_wait3A_564 = tpu.memref_slice %arg2[%dma_wait3A_563] : memref<1024xf32, #tpu.memory_space<hbm>> -> memref<1024xf32, #tpu.memory_space<hbm>>
    tpu.wait_indirect_dma semaphore(%arg26 : memref<!tpu.dma_semaphore, #tpu.memory_space<semaphore_mem>>) src(%dma_wait3A_564 : memref<1024xf32, #tpu.memory_space<hbm>>) dst(%dma_wait3A_560 : memref<128xf32, #tpu.memory_space<vmem>>)
    %dma_wait3A_565 = arith.constant 1920 : i32
    %dma_wait3A_566 = tpu.memref_slice %arg17[%dma_wait3A_565] : memref<2048xf32, #tpu.memory_space<vmem>> -> memref<128xf32, #tpu.memory_space<vmem>>
    %dma_wait3A_567 = arith.constant 1920 : i32
    %dma_wait3A_568 = tpu.memref_slice %arg14[%dma_wait3A_567] : memref<2048xi32, #tpu.memory_space<vmem>> -> memref<128xi32, #tpu.memory_space<vmem>>
    %dma_wait3A_569 = arith.constant 0 : i32
    %dma_wait3A_570 = tpu.memref_slice %arg3[%dma_wait3A_569] : memref<1024xf32, #tpu.memory_space<hbm>> -> memref<1024xf32, #tpu.memory_space<hbm>>
    tpu.wait_indirect_dma semaphore(%arg26 : memref<!tpu.dma_semaphore, #tpu.memory_space<semaphore_mem>>) src(%dma_wait3A_570 : memref<1024xf32, #tpu.memory_space<hbm>>) dst(%dma_wait3A_566 : memref<128xf32, #tpu.memory_space<vmem>>)
    %dma_wait3A_571 = arith.constant 1920 : i32
    %dma_wait3A_572 = tpu.memref_slice %arg18[%dma_wait3A_571] : memref<2048xf32, #tpu.memory_space<vmem>> -> memref<128xf32, #tpu.memory_space<vmem>>
    %dma_wait3A_573 = arith.constant 1920 : i32
    %dma_wait3A_574 = tpu.memref_slice %arg14[%dma_wait3A_573] : memref<2048xi32, #tpu.memory_space<vmem>> -> memref<128xi32, #tpu.memory_space<vmem>>
    %dma_wait3A_575 = arith.constant 0 : i32
    %dma_wait3A_576 = tpu.memref_slice %arg4[%dma_wait3A_575] : memref<1024xf32, #tpu.memory_space<hbm>> -> memref<1024xf32, #tpu.memory_space<hbm>>
    tpu.wait_indirect_dma semaphore(%arg26 : memref<!tpu.dma_semaphore, #tpu.memory_space<semaphore_mem>>) src(%dma_wait3A_576 : memref<1024xf32, #tpu.memory_space<hbm>>) dst(%dma_wait3A_572 : memref<128xf32, #tpu.memory_space<vmem>>)
    %scan3A = arith.constant 0 : i32
    %scan3A_577 = arith.constant 0 : i32
    %scan3A_578 = arith.constant 128 : i32
    %scan3A_579 = arith.addi %scan3A_577, %scan3A_578 : i32
    %scan3A_580 = arith.constant 1 : i32
    scf.for %scan3A_582 = %scan3A_577 to %scan3A_579 step %scan3A_580  : i32 {
      %mul3A_583 = arith.constant 16 : i32
      %mul3A_584 = arith.muli %scan3A_582, %mul3A_583 : i32
      %get3A = arith.index_cast %mul3A_584 : i32 to index
      %get3A_585 = tpu.vector_load %arg14[%get3A] {strides = array<i32>} : memref<2048xi32, #tpu.memory_space<vmem>>, vector<16xi32>,
      %get3A_586 = vector.shape_cast %get3A_585 : vector<16xi32> to vector<16xi32>
      %get3A_587 = arith.index_cast %mul3A_584 : i32 to index
      %get3A_588 = tpu.vector_load %arg15[%get3A_587] {strides = array<i32>} : memref<2048xi32, #tpu.memory_space<vmem>>, vector<16xi32>,
      %get3A_589 = vector.shape_cast %get3A_588 : vector<16xi32> to vector<16xi32>
      %get3A_590 = arith.index_cast %mul3A_584 : i32 to index
      %get3A_591 = tpu.vector_load %arg16[%get3A_590] {strides = array<i32>} : memref<2048xf32, #tpu.memory_space<vmem>>, vector<16xf32>,
      %get3A_592 = vector.shape_cast %get3A_591 : vector<16xf32> to vector<16xf32>
      %get3A_593 = arith.index_cast %mul3A_584 : i32 to index
      %get3A_594 = tpu.vector_load %arg19[%get3A_593] {strides = array<i32>} : memref<2048xf32, #tpu.memory_space<vmem>>, vector<16xf32>,
      %get3A_595 = vector.shape_cast %get3A_594 : vector<16xf32> to vector<16xf32>
      %sub3A = arith.subf %get3A_592, %get3A_595 : vector<16xf32>
      %get3A_596 = arith.index_cast %mul3A_584 : i32 to index
      %get3A_597 = tpu.vector_load %arg17[%get3A_596] {strides = array<i32>} : memref<2048xf32, #tpu.memory_space<vmem>>, vector<16xf32>,
      %get3A_598 = vector.shape_cast %get3A_597 : vector<16xf32> to vector<16xf32>
      %get3A_599 = arith.index_cast %mul3A_584 : i32 to index
      %get3A_600 = tpu.vector_load %arg20[%get3A_599] {strides = array<i32>} : memref<2048xf32, #tpu.memory_space<vmem>>, vector<16xf32>,
      %get3A_601 = vector.shape_cast %get3A_600 : vector<16xf32> to vector<16xf32>
      %sub3A_602 = arith.subf %get3A_598, %get3A_601 : vector<16xf32>
      %get3A_603 = arith.index_cast %mul3A_584 : i32 to index
      %get3A_604 = tpu.vector_load %arg18[%get3A_603] {strides = array<i32>} : memref<2048xf32, #tpu.memory_space<vmem>>, vector<16xf32>,
      %get3A_605 = vector.shape_cast %get3A_604 : vector<16xf32> to vector<16xf32>
      %get3A_606 = arith.index_cast %mul3A_584 : i32 to index
      %get3A_607 = tpu.vector_load %arg21[%get3A_606] {strides = array<i32>} : memref<2048xf32, #tpu.memory_space<vmem>>, vector<16xf32>,
      %get3A_608 = vector.shape_cast %get3A_607 : vector<16xf32> to vector<16xf32>
      %sub3A_609 = arith.subf %get3A_605, %get3A_608 : vector<16xf32>
      %ne3A = arith.cmpi ne, %get3A_586, %get3A_589 : vector<16xi32>
      %mul3A_610 = arith.mulf %sub3A, %sub3A : vector<16xf32>
      %mul3A_611 = arith.mulf %sub3A_609, %sub3A_609 : vector<16xf32>
      %add3A_612 = arith.addf %mul3A_610, %mul3A_611 : vector<16xf32>
      %mul3A_613 = arith.mulf %sub3A_602, %sub3A_602 : vector<16xf32>
      %add3A_614 = arith.addf %add3A_612, %mul3A_613 : vector<16xf32>
      %jit3A = arith.constant 1.000000e+00 : f32
      %broadcast_in_dim3A = vector.broadcast %jit3A : f32 to vector<16xf32>
      %select_n3A = arith.select %ne3A, %add3A_614, %broadcast_in_dim3A : vector<16xi1>, vector<16xf32>
      %bitcast_convert_type3A = tpu.bitcast %select_n3A : vector<16xf32> -> vector<16xi32>
      %shift_right_arithmetic3A = arith.constant 1 : i32
      %shift_right_arithmetic3A_615 = vector.broadcast %shift_right_arithmetic3A : i32 to vector<16xi32>
      %shift_right_arithmetic3A_616 = arith.shrsi %bitcast_convert_type3A, %shift_right_arithmetic3A_615 : vector<16xi32>
      %add3A_617 = arith.constant 532487669 : i32
      %add3A_618 = vector.broadcast %add3A_617 : i32 to vector<16xi32>
      %add3A_619 = arith.addi %shift_right_arithmetic3A_616, %add3A_618 : vector<16xi32>
      %bitcast_convert_type3A_620 = tpu.bitcast %add3A_619 : vector<16xi32> -> vector<16xf32>
      %div3A = arith.divf %select_n3A, %bitcast_convert_type3A_620 : vector<16xf32>
      %add3A_621 = arith.addf %bitcast_convert_type3A_620, %div3A : vector<16xf32>
      %mul3A_622 = arith.constant 5.000000e-01 : f32
      %mul3A_623 = vector.broadcast %mul3A_622 : f32 to vector<16xf32>
      %mul3A_624 = arith.mulf %mul3A_623, %add3A_621 : vector<16xf32>
      %div3A_625 = arith.divf %select_n3A, %mul3A_624 : vector<16xf32>
      %add3A_626 = arith.addf %mul3A_624, %div3A_625 : vector<16xf32>
      %mul3A_627 = arith.constant 5.000000e-01 : f32
      %mul3A_628 = vector.broadcast %mul3A_627 : f32 to vector<16xf32>
      %mul3A_629 = arith.mulf %mul3A_628, %add3A_626 : vector<16xf32>
      %div3A_630 = arith.divf %select_n3A, %mul3A_629 : vector<16xf32>
      %add3A_631 = arith.addf %mul3A_629, %div3A_630 : vector<16xf32>
      %mul3A_632 = arith.constant 5.000000e-01 : f32
      %mul3A_633 = vector.broadcast %mul3A_632 : f32 to vector<16xf32>
      %mul3A_634 = arith.mulf %mul3A_633, %add3A_631 : vector<16xf32>
      %div3A_635 = arith.divf %select_n3A, %mul3A_634 : vector<16xf32>
      %add3A_636 = arith.addf %mul3A_634, %div3A_635 : vector<16xf32>
      %mul3A_637 = arith.constant 5.000000e-01 : f32
      %mul3A_638 = vector.broadcast %mul3A_637 : f32 to vector<16xf32>
      %mul3A_639 = arith.mulf %mul3A_638, %add3A_636 : vector<16xf32>
      %jit3A_640 = arith.constant 0.000000e+00 : f32
      %broadcast_in_dim3A_641 = vector.broadcast %jit3A_640 : f32 to vector<16xf32>
      %select_n3A_642 = arith.select %ne3A, %mul3A_639, %broadcast_in_dim3A_641 : vector<16xi1>, vector<16xf32>
      %swap3A = arith.index_cast %mul3A_584 : i32 to index
      %swap3A_643 = tpu.vector_load %arg22[%swap3A] {strides = array<i32>} : memref<2048xf32, #tpu.memory_space<vmem>>, vector<16xf32>,
      %swap3A_644 = vector.shape_cast %swap3A_643 : vector<16xf32> to vector<16xf32>
      %swap3A_645 = vector.shape_cast %sub3A : vector<16xf32> to vector<16xf32>
      tpu.vector_store %arg22[%swap3A], %swap3A_645 {strides = array<i32>} : memref<2048xf32, #tpu.memory_space<vmem>>, vector<16xf32>,
      %swap3A_646 = arith.index_cast %mul3A_584 : i32 to index
      %swap3A_647 = tpu.vector_load %arg23[%swap3A_646] {strides = array<i32>} : memref<2048xf32, #tpu.memory_space<vmem>>, vector<16xf32>,
      %swap3A_648 = vector.shape_cast %swap3A_647 : vector<16xf32> to vector<16xf32>
      %swap3A_649 = vector.shape_cast %sub3A_602 : vector<16xf32> to vector<16xf32>
      tpu.vector_store %arg23[%swap3A_646], %swap3A_649 {strides = array<i32>} : memref<2048xf32, #tpu.memory_space<vmem>>, vector<16xf32>,
      %swap3A_650 = arith.index_cast %mul3A_584 : i32 to index
      %swap3A_651 = tpu.vector_load %arg24[%swap3A_650] {strides = array<i32>} : memref<2048xf32, #tpu.memory_space<vmem>>, vector<16xf32>,
      %swap3A_652 = vector.shape_cast %swap3A_651 : vector<16xf32> to vector<16xf32>
      %swap3A_653 = vector.shape_cast %sub3A_609 : vector<16xf32> to vector<16xf32>
      tpu.vector_store %arg24[%swap3A_650], %swap3A_653 {strides = array<i32>} : memref<2048xf32, #tpu.memory_space<vmem>>, vector<16xf32>,
      %swap3A_654 = arith.index_cast %mul3A_584 : i32 to index
      %swap3A_655 = tpu.vector_load %arg25[%swap3A_654] {strides = array<i32>} : memref<2048xf32, #tpu.memory_space<vmem>>, vector<16xf32>,
      %swap3A_656 = vector.shape_cast %swap3A_655 : vector<16xf32> to vector<16xf32>
      %swap3A_657 = vector.shape_cast %select_n3A_642 : vector<16xf32> to vector<16xf32>
      tpu.vector_store %arg25[%swap3A_654], %swap3A_657 {strides = array<i32>} : memref<2048xf32, #tpu.memory_space<vmem>>, vector<16xf32>,
    }
    %scan3A_581 = arith.constant 128 : i32
    "tpu.region"() ({
      %run_scoped3A = tpu.sem_alloc : memref<!tpu.dma_semaphore, #tpu.memory_space<semaphore_mem>>
      %dma_start3A_582 = tpu.memref_slice %arg10[%mul3A_2] : memref<65536xf32, #tpu.memory_space<hbm>> -> memref<2048xf32, #tpu.memory_space<hbm>>
      %dma_start3A_583 = tpu.memref_slice %arg10[%mul3A_2] : memref<65536xf32, #tpu.memory_space<hbm>> -> memref<2048xf32, #tpu.memory_space<hbm>>
      tpu.enqueue_dma source(%arg22 : memref<2048xf32, #tpu.memory_space<vmem>>) target(%dma_start3A_583 : memref<2048xf32, #tpu.memory_space<hbm>>) target_semaphore(%run_scoped3A : memref<!tpu.dma_semaphore, #tpu.memory_space<semaphore_mem>>)
      %dma_wait3A_584 = tpu.memref_slice %arg10[%mul3A_2] : memref<65536xf32, #tpu.memory_space<hbm>> -> memref<2048xf32, #tpu.memory_space<hbm>>
      %dma_wait3A_585 = tpu.memref_slice %arg10[%mul3A_2] : memref<65536xf32, #tpu.memory_space<hbm>> -> memref<2048xf32, #tpu.memory_space<hbm>>
      tpu.wait_dma2 semaphore(%run_scoped3A : memref<!tpu.dma_semaphore, #tpu.memory_space<semaphore_mem>>) src(%arg22 : memref<2048xf32, #tpu.memory_space<vmem>>) dst(%dma_wait3A_585 : memref<2048xf32, #tpu.memory_space<hbm>>)
      tpu.yield
    }) : () -> ()
    "tpu.region"() ({
      %run_scoped3A = tpu.sem_alloc : memref<!tpu.dma_semaphore, #tpu.memory_space<semaphore_mem>>
      %dma_start3A_582 = tpu.memref_slice %arg11[%mul3A_2] : memref<65536xf32, #tpu.memory_space<hbm>> -> memref<2048xf32, #tpu.memory_space<hbm>>
      %dma_start3A_583 = tpu.memref_slice %arg11[%mul3A_2] : memref<65536xf32, #tpu.memory_space<hbm>> -> memref<2048xf32, #tpu.memory_space<hbm>>
      tpu.enqueue_dma source(%arg23 : memref<2048xf32, #tpu.memory_space<vmem>>) target(%dma_start3A_583 : memref<2048xf32, #tpu.memory_space<hbm>>) target_semaphore(%run_scoped3A : memref<!tpu.dma_semaphore, #tpu.memory_space<semaphore_mem>>)
      %dma_wait3A_584 = tpu.memref_slice %arg11[%mul3A_2] : memref<65536xf32, #tpu.memory_space<hbm>> -> memref<2048xf32, #tpu.memory_space<hbm>>
      %dma_wait3A_585 = tpu.memref_slice %arg11[%mul3A_2] : memref<65536xf32, #tpu.memory_space<hbm>> -> memref<2048xf32, #tpu.memory_space<hbm>>
      tpu.wait_dma2 semaphore(%run_scoped3A : memref<!tpu.dma_semaphore, #tpu.memory_space<semaphore_mem>>) src(%arg23 : memref<2048xf32, #tpu.memory_space<vmem>>) dst(%dma_wait3A_585 : memref<2048xf32, #tpu.memory_space<hbm>>)
      tpu.yield
    }) : () -> ()
    "tpu.region"() ({
      %run_scoped3A = tpu.sem_alloc : memref<!tpu.dma_semaphore, #tpu.memory_space<semaphore_mem>>
      %dma_start3A_582 = tpu.memref_slice %arg12[%mul3A_2] : memref<65536xf32, #tpu.memory_space<hbm>> -> memref<2048xf32, #tpu.memory_space<hbm>>
      %dma_start3A_583 = tpu.memref_slice %arg12[%mul3A_2] : memref<65536xf32, #tpu.memory_space<hbm>> -> memref<2048xf32, #tpu.memory_space<hbm>>
      tpu.enqueue_dma source(%arg24 : memref<2048xf32, #tpu.memory_space<vmem>>) target(%dma_start3A_583 : memref<2048xf32, #tpu.memory_space<hbm>>) target_semaphore(%run_scoped3A : memref<!tpu.dma_semaphore, #tpu.memory_space<semaphore_mem>>)
      %dma_wait3A_584 = tpu.memref_slice %arg12[%mul3A_2] : memref<65536xf32, #tpu.memory_space<hbm>> -> memref<2048xf32, #tpu.memory_space<hbm>>
      %dma_wait3A_585 = tpu.memref_slice %arg12[%mul3A_2] : memref<65536xf32, #tpu.memory_space<hbm>> -> memref<2048xf32, #tpu.memory_space<hbm>>
      tpu.wait_dma2 semaphore(%run_scoped3A : memref<!tpu.dma_semaphore, #tpu.memory_space<semaphore_mem>>) src(%arg24 : memref<2048xf32, #tpu.memory_space<vmem>>) dst(%dma_wait3A_585 : memref<2048xf32, #tpu.memory_space<hbm>>)
      tpu.yield
    }) : () -> ()
    "tpu.region"() ({
      %run_scoped3A = tpu.sem_alloc : memref<!tpu.dma_semaphore, #tpu.memory_space<semaphore_mem>>
      %dma_start3A_582 = tpu.memref_slice %arg13[%mul3A_2] : memref<65536xf32, #tpu.memory_space<hbm>> -> memref<2048xf32, #tpu.memory_space<hbm>>
      %dma_start3A_583 = tpu.memref_slice %arg13[%mul3A_2] : memref<65536xf32, #tpu.memory_space<hbm>> -> memref<2048xf32, #tpu.memory_space<hbm>>
      tpu.enqueue_dma source(%arg25 : memref<2048xf32, #tpu.memory_space<vmem>>) target(%dma_start3A_583 : memref<2048xf32, #tpu.memory_space<hbm>>) target_semaphore(%run_scoped3A : memref<!tpu.dma_semaphore, #tpu.memory_space<semaphore_mem>>)
      %dma_wait3A_584 = tpu.memref_slice %arg13[%mul3A_2] : memref<65536xf32, #tpu.memory_space<hbm>> -> memref<2048xf32, #tpu.memory_space<hbm>>
      %dma_wait3A_585 = tpu.memref_slice %arg13[%mul3A_2] : memref<65536xf32, #tpu.memory_space<hbm>> -> memref<2048xf32, #tpu.memory_space<hbm>>
      tpu.wait_dma2 semaphore(%run_scoped3A : memref<!tpu.dma_semaphore, #tpu.memory_space<semaphore_mem>>) src(%arg25 : memref<2048xf32, #tpu.memory_space<vmem>>) dst(%dma_wait3A_585 : memref<2048xf32, #tpu.memory_space<hbm>>)
      tpu.yield
    }) : () -> ()
    return
  }
}

module attributes {stable_mosaic.version = 14 : i64} {
  func.func @_tc_body(%arg0: i32, %arg1: memref<3x1024xf32, #tpu.memory_space<vmem>>, %arg2: memref<1x1024xi32, #tpu.memory_space<vmem>>, %arg3: memref<1x3xf32, #tpu.memory_space<smem>>, %arg4: memref<3x128xf32, #tpu.memory_space<vmem>>, %arg5: memref<1x128xi32, #tpu.memory_space<vmem>>, %arg6: memref<128x64xi32, #tpu.memory_space<vmem>>) attributes {dimension_semantics = [#tpu.dimension_semantics<arbitrary>], iteration_bounds = array<i64: 8>, scalar_prefetch = 0 : i64, scratch_operands = 0 : i64, tpu.core_type = #tpu.core_type<tc>, window_params = [{pipeline_mode = #tpu.pipeline_mode<synchronous>, transform_indices = @transform_0, window_bounds = array<i64: 3, 1024>}, {pipeline_mode = #tpu.pipeline_mode<synchronous>, transform_indices = @transform_1, window_bounds = array<i64: 1, 1024>}, {transform_indices = @transform_2, window_bounds = array<i64: 1, 3>}, {transform_indices = @transform_3, window_bounds = array<i64: 3, 128>}, {transform_indices = @transform_4, window_bounds = array<i64: 1, 128>}, {transform_indices = @transform_5, window_bounds = array<i64: 128, 64>}]} {
    %get3A = arith.constant 0 : index
    %get3A_0 = arith.constant 0 : index
    %get3A_1 = vector.load %arg1[%get3A, %get3A_0] : memref<3x1024xf32, #tpu.memory_space<vmem>>, vector<1x1024xf32>
    %get3A_2 = vector.shape_cast %get3A_1 : vector<1x1024xf32> to vector<1024xf32>
    %reshape3A = vector.shape_cast %get3A_2 : vector<1024xf32> to vector<1x1024xf32>
    %get3A_3 = arith.constant 0 : index
    %get3A_4 = arith.constant 0 : index
    %get3A_5 = vector.load %arg4[%get3A_3, %get3A_4] : memref<3x128xf32, #tpu.memory_space<vmem>>, vector<1x128xf32>
    %get3A_6 = vector.shape_cast %get3A_5 : vector<1x128xf32> to vector<128xf32>
    %reshape3A_7 = vector.shape_cast %get3A_6 : vector<128xf32> to vector<128x1xf32>
    %get3A_8 = arith.constant 0 : index
    %get3A_9 = arith.constant 0 : index
    %get3A_10 = memref.load %arg3[%get3A_8, %get3A_9] : memref<1x3xf32, #tpu.memory_space<smem>>
    %sub3A = vector.broadcast %reshape3A_7 : vector<128x1xf32> to vector<128x1024xf32>
    %sub3A_11 = vector.broadcast %reshape3A : vector<1x1024xf32> to vector<128x1024xf32>
    %sub3A_12 = arith.subf %sub3A, %sub3A_11 : vector<128x1024xf32>
    %div3A = vector.broadcast %get3A_10 : f32 to vector<128x1024xf32>
    %div3A_13 = arith.divf %sub3A_12, %div3A : vector<128x1024xf32>
    %round3A = math.roundeven %div3A_13 : vector<128x1024xf32>
    %mul3A = vector.broadcast %get3A_10 : f32 to vector<128x1024xf32>
    %mul3A_14 = arith.mulf %round3A, %mul3A : vector<128x1024xf32>
    %add3A = vector.broadcast %reshape3A : vector<1x1024xf32> to vector<128x1024xf32>
    %add3A_15 = arith.addf %add3A, %mul3A_14 : vector<128x1024xf32>
    %mul3A_16 = arith.mulf %add3A_15, %add3A_15 : vector<128x1024xf32>
    %broadcast_in_dim3A = vector.shape_cast %reshape3A_7 : vector<128x1xf32> to vector<128x1xf32>
    %broadcast_in_dim3A_17 = vector.broadcast %broadcast_in_dim3A : vector<128x1xf32> to vector<128x1024xf32>
    %bitcast_convert_type3A = tpu.bitcast %broadcast_in_dim3A_17 : vector<128x1024xf32> -> vector<128x1024xi32>
    %shift_right_logical3A = arith.constant 16 : i32
    %shift_right_logical3A_18 = vector.broadcast %shift_right_logical3A : i32 to vector<128x1024xi32>
    %shift_right_logical3A_19 = arith.shrui %bitcast_convert_type3A, %shift_right_logical3A_18 : vector<128x1024xi32>
    %and3A = arith.constant 1 : i32
    %and3A_20 = vector.broadcast %and3A : i32 to vector<128x1024xi32>
    %and3A_21 = arith.andi %shift_right_logical3A_19, %and3A_20 : vector<128x1024xi32>
    %add3A_22 = arith.constant 32767 : i32
    %add3A_23 = vector.broadcast %add3A_22 : i32 to vector<128x1024xi32>
    %add3A_24 = arith.addi %bitcast_convert_type3A, %add3A_23 : vector<128x1024xi32>
    %add3A_25 = arith.addi %add3A_24, %and3A_21 : vector<128x1024xi32>
    %and3A_26 = arith.constant -65536 : i32
    %and3A_27 = vector.broadcast %and3A_26 : i32 to vector<128x1024xi32>
    %and3A_28 = arith.andi %add3A_25, %and3A_27 : vector<128x1024xi32>
    %bitcast_convert_type3A_29 = tpu.bitcast %and3A_28 : vector<128x1024xi32> -> vector<128x1024xf32>
    %bitcast_convert_type3A_30 = tpu.bitcast %add3A_15 : vector<128x1024xf32> -> vector<128x1024xi32>
    %shift_right_logical3A_31 = arith.constant 16 : i32
    %shift_right_logical3A_32 = vector.broadcast %shift_right_logical3A_31 : i32 to vector<128x1024xi32>
    %shift_right_logical3A_33 = arith.shrui %bitcast_convert_type3A_30, %shift_right_logical3A_32 : vector<128x1024xi32>
    %and3A_34 = arith.constant 1 : i32
    %and3A_35 = vector.broadcast %and3A_34 : i32 to vector<128x1024xi32>
    %and3A_36 = arith.andi %shift_right_logical3A_33, %and3A_35 : vector<128x1024xi32>
    %add3A_37 = arith.constant 32767 : i32
    %add3A_38 = vector.broadcast %add3A_37 : i32 to vector<128x1024xi32>
    %add3A_39 = arith.addi %bitcast_convert_type3A_30, %add3A_38 : vector<128x1024xi32>
    %add3A_40 = arith.addi %add3A_39, %and3A_36 : vector<128x1024xi32>
    %and3A_41 = arith.constant -65536 : i32
    %and3A_42 = vector.broadcast %and3A_41 : i32 to vector<128x1024xi32>
    %and3A_43 = arith.andi %add3A_40, %and3A_42 : vector<128x1024xi32>
    %bitcast_convert_type3A_44 = tpu.bitcast %and3A_43 : vector<128x1024xi32> -> vector<128x1024xf32>
    %mul3A_45 = arith.mulf %bitcast_convert_type3A_29, %bitcast_convert_type3A_44 : vector<128x1024xf32>
    %eq3A = arith.constant 0.000000e+00 : f32
    %eq3A_46 = vector.broadcast %eq3A : f32 to vector<128x1024xf32>
    %eq3A_47 = arith.cmpf oeq, %round3A, %eq3A_46 : vector<128x1024xf32>
    %lt3A = arith.constant 0.000000e+00 : f32
    %lt3A_48 = vector.broadcast %lt3A : f32 to vector<128x1024xf32>
    %lt3A_49 = arith.cmpf olt, %round3A, %lt3A_48 : vector<128x1024xf32>
    %jit3A = arith.constant 1 : i32
    %jit3A_50 = arith.constant 2 : i32
    %broadcast_in_dim3A_51 = vector.broadcast %jit3A : i32 to vector<128x1024xi32>
    %broadcast_in_dim3A_52 = vector.broadcast %jit3A_50 : i32 to vector<128x1024xi32>
    %select_n3A = arith.select %lt3A_49, %broadcast_in_dim3A_51, %broadcast_in_dim3A_52 : vector<128x1024xi1>, vector<128x1024xi32>
    %jit3A_53 = arith.constant 0 : i32
    %broadcast_in_dim3A_54 = vector.broadcast %jit3A_53 : i32 to vector<128x1024xi32>
    %select_n3A_55 = arith.select %eq3A_47, %broadcast_in_dim3A_54, %select_n3A : vector<128x1024xi1>, vector<128x1024xi32>
    %get3A_56 = arith.constant 1 : index
    %get3A_57 = arith.constant 0 : index
    %get3A_58 = vector.load %arg1[%get3A_56, %get3A_57] : memref<3x1024xf32, #tpu.memory_space<vmem>>, vector<1x1024xf32>
    %get3A_59 = vector.shape_cast %get3A_58 : vector<1x1024xf32> to vector<1024xf32>
    %reshape3A_60 = vector.shape_cast %get3A_59 : vector<1024xf32> to vector<1x1024xf32>
    %get3A_61 = arith.constant 1 : index
    %get3A_62 = arith.constant 0 : index
    %get3A_63 = vector.load %arg4[%get3A_61, %get3A_62] : memref<3x128xf32, #tpu.memory_space<vmem>>, vector<1x128xf32>
    %get3A_64 = vector.shape_cast %get3A_63 : vector<1x128xf32> to vector<128xf32>
    %reshape3A_65 = vector.shape_cast %get3A_64 : vector<128xf32> to vector<128x1xf32>
    %get3A_66 = arith.constant 0 : index
    %get3A_67 = arith.constant 1 : index
    %get3A_68 = memref.load %arg3[%get3A_66, %get3A_67] : memref<1x3xf32, #tpu.memory_space<smem>>
    %sub3A_69 = vector.broadcast %reshape3A_65 : vector<128x1xf32> to vector<128x1024xf32>
    %sub3A_70 = vector.broadcast %reshape3A_60 : vector<1x1024xf32> to vector<128x1024xf32>
    %sub3A_71 = arith.subf %sub3A_69, %sub3A_70 : vector<128x1024xf32>
    %div3A_72 = vector.broadcast %get3A_68 : f32 to vector<128x1024xf32>
    %div3A_73 = arith.divf %sub3A_71, %div3A_72 : vector<128x1024xf32>
    %round3A_74 = math.roundeven %div3A_73 : vector<128x1024xf32>
    %mul3A_75 = vector.broadcast %get3A_68 : f32 to vector<128x1024xf32>
    %mul3A_76 = arith.mulf %round3A_74, %mul3A_75 : vector<128x1024xf32>
    %add3A_77 = vector.broadcast %reshape3A_60 : vector<1x1024xf32> to vector<128x1024xf32>
    %add3A_78 = arith.addf %add3A_77, %mul3A_76 : vector<128x1024xf32>
    %mul3A_79 = arith.mulf %add3A_78, %add3A_78 : vector<128x1024xf32>
    %broadcast_in_dim3A_80 = vector.shape_cast %reshape3A_65 : vector<128x1xf32> to vector<128x1xf32>
    %broadcast_in_dim3A_81 = vector.broadcast %broadcast_in_dim3A_80 : vector<128x1xf32> to vector<128x1024xf32>
    %bitcast_convert_type3A_82 = tpu.bitcast %broadcast_in_dim3A_81 : vector<128x1024xf32> -> vector<128x1024xi32>
    %shift_right_logical3A_83 = arith.constant 16 : i32
    %shift_right_logical3A_84 = vector.broadcast %shift_right_logical3A_83 : i32 to vector<128x1024xi32>
    %shift_right_logical3A_85 = arith.shrui %bitcast_convert_type3A_82, %shift_right_logical3A_84 : vector<128x1024xi32>
    %and3A_86 = arith.constant 1 : i32
    %and3A_87 = vector.broadcast %and3A_86 : i32 to vector<128x1024xi32>
    %and3A_88 = arith.andi %shift_right_logical3A_85, %and3A_87 : vector<128x1024xi32>
    %add3A_89 = arith.constant 32767 : i32
    %add3A_90 = vector.broadcast %add3A_89 : i32 to vector<128x1024xi32>
    %add3A_91 = arith.addi %bitcast_convert_type3A_82, %add3A_90 : vector<128x1024xi32>
    %add3A_92 = arith.addi %add3A_91, %and3A_88 : vector<128x1024xi32>
    %and3A_93 = arith.constant -65536 : i32
    %and3A_94 = vector.broadcast %and3A_93 : i32 to vector<128x1024xi32>
    %and3A_95 = arith.andi %add3A_92, %and3A_94 : vector<128x1024xi32>
    %bitcast_convert_type3A_96 = tpu.bitcast %and3A_95 : vector<128x1024xi32> -> vector<128x1024xf32>
    %bitcast_convert_type3A_97 = tpu.bitcast %add3A_78 : vector<128x1024xf32> -> vector<128x1024xi32>
    %shift_right_logical3A_98 = arith.constant 16 : i32
    %shift_right_logical3A_99 = vector.broadcast %shift_right_logical3A_98 : i32 to vector<128x1024xi32>
    %shift_right_logical3A_100 = arith.shrui %bitcast_convert_type3A_97, %shift_right_logical3A_99 : vector<128x1024xi32>
    %and3A_101 = arith.constant 1 : i32
    %and3A_102 = vector.broadcast %and3A_101 : i32 to vector<128x1024xi32>
    %and3A_103 = arith.andi %shift_right_logical3A_100, %and3A_102 : vector<128x1024xi32>
    %add3A_104 = arith.constant 32767 : i32
    %add3A_105 = vector.broadcast %add3A_104 : i32 to vector<128x1024xi32>
    %add3A_106 = arith.addi %bitcast_convert_type3A_97, %add3A_105 : vector<128x1024xi32>
    %add3A_107 = arith.addi %add3A_106, %and3A_103 : vector<128x1024xi32>
    %and3A_108 = arith.constant -65536 : i32
    %and3A_109 = vector.broadcast %and3A_108 : i32 to vector<128x1024xi32>
    %and3A_110 = arith.andi %add3A_107, %and3A_109 : vector<128x1024xi32>
    %bitcast_convert_type3A_111 = tpu.bitcast %and3A_110 : vector<128x1024xi32> -> vector<128x1024xf32>
    %mul3A_112 = arith.mulf %bitcast_convert_type3A_96, %bitcast_convert_type3A_111 : vector<128x1024xf32>
    %eq3A_113 = arith.constant 0.000000e+00 : f32
    %eq3A_114 = vector.broadcast %eq3A_113 : f32 to vector<128x1024xf32>
    %eq3A_115 = arith.cmpf oeq, %round3A_74, %eq3A_114 : vector<128x1024xf32>
    %lt3A_116 = arith.constant 0.000000e+00 : f32
    %lt3A_117 = vector.broadcast %lt3A_116 : f32 to vector<128x1024xf32>
    %lt3A_118 = arith.cmpf olt, %round3A_74, %lt3A_117 : vector<128x1024xf32>
    %jit3A_119 = arith.constant 1 : i32
    %jit3A_120 = arith.constant 2 : i32
    %broadcast_in_dim3A_121 = vector.broadcast %jit3A_119 : i32 to vector<128x1024xi32>
    %broadcast_in_dim3A_122 = vector.broadcast %jit3A_120 : i32 to vector<128x1024xi32>
    %select_n3A_123 = arith.select %lt3A_118, %broadcast_in_dim3A_121, %broadcast_in_dim3A_122 : vector<128x1024xi1>, vector<128x1024xi32>
    %jit3A_124 = arith.constant 0 : i32
    %broadcast_in_dim3A_125 = vector.broadcast %jit3A_124 : i32 to vector<128x1024xi32>
    %select_n3A_126 = arith.select %eq3A_115, %broadcast_in_dim3A_125, %select_n3A_123 : vector<128x1024xi1>, vector<128x1024xi32>
    %get3A_127 = arith.constant 2 : index
    %get3A_128 = arith.constant 0 : index
    %get3A_129 = vector.load %arg1[%get3A_127, %get3A_128] : memref<3x1024xf32, #tpu.memory_space<vmem>>, vector<1x1024xf32>
    %get3A_130 = vector.shape_cast %get3A_129 : vector<1x1024xf32> to vector<1024xf32>
    %reshape3A_131 = vector.shape_cast %get3A_130 : vector<1024xf32> to vector<1x1024xf32>
    %get3A_132 = arith.constant 2 : index
    %get3A_133 = arith.constant 0 : index
    %get3A_134 = vector.load %arg4[%get3A_132, %get3A_133] : memref<3x128xf32, #tpu.memory_space<vmem>>, vector<1x128xf32>
    %get3A_135 = vector.shape_cast %get3A_134 : vector<1x128xf32> to vector<128xf32>
    %reshape3A_136 = vector.shape_cast %get3A_135 : vector<128xf32> to vector<128x1xf32>
    %get3A_137 = arith.constant 0 : index
    %get3A_138 = arith.constant 2 : index
    %get3A_139 = memref.load %arg3[%get3A_137, %get3A_138] : memref<1x3xf32, #tpu.memory_space<smem>>
    %sub3A_140 = vector.broadcast %reshape3A_136 : vector<128x1xf32> to vector<128x1024xf32>
    %sub3A_141 = vector.broadcast %reshape3A_131 : vector<1x1024xf32> to vector<128x1024xf32>
    %sub3A_142 = arith.subf %sub3A_140, %sub3A_141 : vector<128x1024xf32>
    %div3A_143 = vector.broadcast %get3A_139 : f32 to vector<128x1024xf32>
    %div3A_144 = arith.divf %sub3A_142, %div3A_143 : vector<128x1024xf32>
    %round3A_145 = math.roundeven %div3A_144 : vector<128x1024xf32>
    %mul3A_146 = vector.broadcast %get3A_139 : f32 to vector<128x1024xf32>
    %mul3A_147 = arith.mulf %round3A_145, %mul3A_146 : vector<128x1024xf32>
    %add3A_148 = vector.broadcast %reshape3A_131 : vector<1x1024xf32> to vector<128x1024xf32>
    %add3A_149 = arith.addf %add3A_148, %mul3A_147 : vector<128x1024xf32>
    %mul3A_150 = arith.mulf %add3A_149, %add3A_149 : vector<128x1024xf32>
    %broadcast_in_dim3A_151 = vector.shape_cast %reshape3A_136 : vector<128x1xf32> to vector<128x1xf32>
    %broadcast_in_dim3A_152 = vector.broadcast %broadcast_in_dim3A_151 : vector<128x1xf32> to vector<128x1024xf32>
    %bitcast_convert_type3A_153 = tpu.bitcast %broadcast_in_dim3A_152 : vector<128x1024xf32> -> vector<128x1024xi32>
    %shift_right_logical3A_154 = arith.constant 16 : i32
    %shift_right_logical3A_155 = vector.broadcast %shift_right_logical3A_154 : i32 to vector<128x1024xi32>
    %shift_right_logical3A_156 = arith.shrui %bitcast_convert_type3A_153, %shift_right_logical3A_155 : vector<128x1024xi32>
    %and3A_157 = arith.constant 1 : i32
    %and3A_158 = vector.broadcast %and3A_157 : i32 to vector<128x1024xi32>
    %and3A_159 = arith.andi %shift_right_logical3A_156, %and3A_158 : vector<128x1024xi32>
    %add3A_160 = arith.constant 32767 : i32
    %add3A_161 = vector.broadcast %add3A_160 : i32 to vector<128x1024xi32>
    %add3A_162 = arith.addi %bitcast_convert_type3A_153, %add3A_161 : vector<128x1024xi32>
    %add3A_163 = arith.addi %add3A_162, %and3A_159 : vector<128x1024xi32>
    %and3A_164 = arith.constant -65536 : i32
    %and3A_165 = vector.broadcast %and3A_164 : i32 to vector<128x1024xi32>
    %and3A_166 = arith.andi %add3A_163, %and3A_165 : vector<128x1024xi32>
    %bitcast_convert_type3A_167 = tpu.bitcast %and3A_166 : vector<128x1024xi32> -> vector<128x1024xf32>
    %bitcast_convert_type3A_168 = tpu.bitcast %add3A_149 : vector<128x1024xf32> -> vector<128x1024xi32>
    %shift_right_logical3A_169 = arith.constant 16 : i32
    %shift_right_logical3A_170 = vector.broadcast %shift_right_logical3A_169 : i32 to vector<128x1024xi32>
    %shift_right_logical3A_171 = arith.shrui %bitcast_convert_type3A_168, %shift_right_logical3A_170 : vector<128x1024xi32>
    %and3A_172 = arith.constant 1 : i32
    %and3A_173 = vector.broadcast %and3A_172 : i32 to vector<128x1024xi32>
    %and3A_174 = arith.andi %shift_right_logical3A_171, %and3A_173 : vector<128x1024xi32>
    %add3A_175 = arith.constant 32767 : i32
    %add3A_176 = vector.broadcast %add3A_175 : i32 to vector<128x1024xi32>
    %add3A_177 = arith.addi %bitcast_convert_type3A_168, %add3A_176 : vector<128x1024xi32>
    %add3A_178 = arith.addi %add3A_177, %and3A_174 : vector<128x1024xi32>
    %and3A_179 = arith.constant -65536 : i32
    %and3A_180 = vector.broadcast %and3A_179 : i32 to vector<128x1024xi32>
    %and3A_181 = arith.andi %add3A_178, %and3A_180 : vector<128x1024xi32>
    %bitcast_convert_type3A_182 = tpu.bitcast %and3A_181 : vector<128x1024xi32> -> vector<128x1024xf32>
    %mul3A_183 = arith.mulf %bitcast_convert_type3A_167, %bitcast_convert_type3A_182 : vector<128x1024xf32>
    %eq3A_184 = arith.constant 0.000000e+00 : f32
    %eq3A_185 = vector.broadcast %eq3A_184 : f32 to vector<128x1024xf32>
    %eq3A_186 = arith.cmpf oeq, %round3A_145, %eq3A_185 : vector<128x1024xf32>
    %lt3A_187 = arith.constant 0.000000e+00 : f32
    %lt3A_188 = vector.broadcast %lt3A_187 : f32 to vector<128x1024xf32>
    %lt3A_189 = arith.cmpf olt, %round3A_145, %lt3A_188 : vector<128x1024xf32>
    %jit3A_190 = arith.constant 1 : i32
    %jit3A_191 = arith.constant 2 : i32
    %broadcast_in_dim3A_192 = vector.broadcast %jit3A_190 : i32 to vector<128x1024xi32>
    %broadcast_in_dim3A_193 = vector.broadcast %jit3A_191 : i32 to vector<128x1024xi32>
    %select_n3A_194 = arith.select %lt3A_189, %broadcast_in_dim3A_192, %broadcast_in_dim3A_193 : vector<128x1024xi1>, vector<128x1024xi32>
    %jit3A_195 = arith.constant 0 : i32
    %broadcast_in_dim3A_196 = vector.broadcast %jit3A_195 : i32 to vector<128x1024xi32>
    %select_n3A_197 = arith.select %eq3A_186, %broadcast_in_dim3A_196, %select_n3A_194 : vector<128x1024xi1>, vector<128x1024xi32>
    %add3A_198 = arith.addf %mul3A_16, %mul3A_79 : vector<128x1024xf32>
    %add3A_199 = arith.addf %add3A_198, %mul3A_150 : vector<128x1024xf32>
    %add3A_200 = arith.addf %mul3A_112, %mul3A_183 : vector<128x1024xf32>
    %add3A_201 = arith.addf %add3A_200, %mul3A_45 : vector<128x1024xf32>
    %get3A_202 = arith.constant 0 : index
    %get3A_203 = arith.constant 0 : index
    %get3A_204 = vector.load %arg4[%get3A_202, %get3A_203] : memref<3x128xf32, #tpu.memory_space<vmem>>, vector<1x128xf32>
    %get3A_205 = vector.shape_cast %get3A_204 : vector<1x128xf32> to vector<128xf32>
    %reshape3A_206 = vector.shape_cast %get3A_205 : vector<128xf32> to vector<128x1xf32>
    %get3A_207 = arith.constant 1 : index
    %get3A_208 = arith.constant 0 : index
    %get3A_209 = vector.load %arg4[%get3A_207, %get3A_208] : memref<3x128xf32, #tpu.memory_space<vmem>>, vector<1x128xf32>
    %get3A_210 = vector.shape_cast %get3A_209 : vector<1x128xf32> to vector<128xf32>
    %reshape3A_211 = vector.shape_cast %get3A_210 : vector<128xf32> to vector<128x1xf32>
    %get3A_212 = arith.constant 2 : index
    %get3A_213 = arith.constant 0 : index
    %get3A_214 = vector.load %arg4[%get3A_212, %get3A_213] : memref<3x128xf32, #tpu.memory_space<vmem>>, vector<1x128xf32>
    %get3A_215 = vector.shape_cast %get3A_214 : vector<1x128xf32> to vector<128xf32>
    %reshape3A_216 = vector.shape_cast %get3A_215 : vector<128xf32> to vector<128x1xf32>
    %mul3A_217 = arith.mulf %reshape3A_206, %reshape3A_206 : vector<128x1xf32>
    %mul3A_218 = arith.mulf %reshape3A_216, %reshape3A_216 : vector<128x1xf32>
    %add3A_219 = arith.addf %mul3A_217, %mul3A_218 : vector<128x1xf32>
    %mul3A_220 = arith.mulf %reshape3A_211, %reshape3A_211 : vector<128x1xf32>
    %add3A_221 = arith.addf %add3A_219, %mul3A_220 : vector<128x1xf32>
    %add3A_222 = vector.broadcast %add3A_221 : vector<128x1xf32> to vector<128x1024xf32>
    %add3A_223 = arith.addf %add3A_222, %add3A_199 : vector<128x1024xf32>
    %mul3A_224 = arith.constant 2.000000e+00 : f32
    %mul3A_225 = vector.broadcast %mul3A_224 : f32 to vector<128x1024xf32>
    %mul3A_226 = arith.mulf %mul3A_225, %add3A_201 : vector<128x1024xf32>
    %sub3A_227 = arith.subf %add3A_223, %mul3A_226 : vector<128x1024xf32>
    %max3A = arith.constant 0.000000e+00 : f32
    %max3A_228 = vector.broadcast %max3A : f32 to vector<128x1024xf32>
    %max3A_229 = arith.maximumf %sub3A_227, %max3A_228 : vector<128x1024xf32>
    %get3A_230 = arith.constant 0 : index
    %get3A_231 = arith.constant 0 : index
    %get3A_232 = vector.load %arg5[%get3A_230, %get3A_231] : memref<1x128xi32, #tpu.memory_space<vmem>>, vector<1x128xi32>
    %get3A_233 = vector.shape_cast %get3A_232 : vector<1x128xi32> to vector<128xi32>
    %reshape3A_234 = vector.shape_cast %get3A_233 : vector<128xi32> to vector<128x1xi32>
    %get3A_235 = arith.constant 0 : index
    %get3A_236 = arith.constant 0 : index
    %get3A_237 = vector.load %arg2[%get3A_235, %get3A_236] : memref<1x1024xi32, #tpu.memory_space<vmem>>, vector<1x1024xi32>
    %get3A_238 = vector.shape_cast %get3A_237 : vector<1x1024xi32> to vector<1024xi32>
    %reshape3A_239 = vector.shape_cast %get3A_238 : vector<1024xi32> to vector<1x1024xi32>
    %le3A = arith.constant 2.500000e+01 : f32
    %le3A_240 = vector.broadcast %le3A : f32 to vector<128x1024xf32>
    %le3A_241 = arith.cmpf ole, %max3A_229, %le3A_240 : vector<128x1024xf32>
    %eq3A_242 = vector.broadcast %reshape3A_234 : vector<128x1xi32> to vector<128x1024xi32>
    %eq3A_243 = vector.broadcast %reshape3A_239 : vector<1x1024xi32> to vector<128x1024xi32>
    %eq3A_244 = arith.cmpi eq, %eq3A_242, %eq3A_243 : vector<128x1024xi32>
    %and3A_245 = arith.andi %le3A_241, %eq3A_244 : vector<128x1024xi1>
    %jit3A_246 = arith.constant 0x7F800000 : f32
    %broadcast_in_dim3A_247 = vector.broadcast %jit3A_246 : f32 to vector<128x1024xf32>
    %select_n3A_248 = arith.select %and3A_245, %max3A_229, %broadcast_in_dim3A_247 : vector<128x1024xi1>, vector<128x1024xf32>
    %iota3A = tpu.iota {dimensions = array<i32: 1>} : vector<128x1024xi32>
    %mul3A_249 = arith.constant 3 : i32
    %mul3A_250 = vector.broadcast %mul3A_249 : i32 to vector<128x1024xi32>
    %mul3A_251 = arith.muli %select_n3A_55, %mul3A_250 : vector<128x1024xi32>
    %add3A_252 = arith.addi %mul3A_251, %select_n3A_126 : vector<128x1024xi32>
    %mul3A_253 = arith.constant 3 : i32
    %mul3A_254 = vector.broadcast %mul3A_253 : i32 to vector<128x1024xi32>
    %mul3A_255 = arith.muli %add3A_252, %mul3A_254 : vector<128x1024xi32>
    %add3A_256 = arith.addi %mul3A_255, %select_n3A_197 : vector<128x1024xi32>
    %mul3A_257 = arith.constant 1024 : i32
    %mul3A_258 = vector.broadcast %mul3A_257 : i32 to vector<128x1024xi32>
    %mul3A_259 = arith.muli %add3A_256, %mul3A_258 : vector<128x1024xi32>
    %add3A_260 = arith.addi %mul3A_259, %iota3A : vector<128x1024xi32>
    %iota3A_261 = tpu.iota {dimensions = array<i32: 1>} : vector<128x64xi32>
    %convert_element_type3A = arith.extui %and3A_245 : vector<128x1024xi1> to vector<128x1024xi32>
    %reduce_sum3A = arith.constant dense<0> : vector<128xi32>
    %reduce_sum3A_262 = vector.multi_reduction <add>, %convert_element_type3A, %reduce_sum3A [1] : vector<128x1024xi32> to vector<128xi32>
    %reduce_max3A = vector.shape_cast %reduce_sum3A_262 : vector<128xi32> to vector<1x128xi32>
    %reduce_max3A_263 = arith.constant dense<-2147483648> : vector<1xi32>
    %reduce_max3A_264 = vector.multi_reduction <maxsi>, %reduce_max3A, %reduce_max3A_263 [1] : vector<1x128xi32> to vector<1xi32>
    %reduce_max3A_265 = vector.shape_cast %reduce_max3A_264 : vector<1xi32> to vector<1x1xi32>
    %reduce_max3A_266 = vector.extract %reduce_max3A_265[0, 0] : i32 from vector<1x1xi32>
    %min3A = arith.constant 64 : i32
    %min3A_267 = arith.minsi %reduce_max3A_266, %min3A : i32
    %broadcast_in_dim3A_268 = arith.constant 0 : i32
    %broadcast_in_dim3A_269 = vector.broadcast %broadcast_in_dim3A_268 : i32 to vector<128x64xi32>
    %broadcast_in_dim3A_270 = arith.constant 0x7F800000 : f32
    %broadcast_in_dim3A_271 = vector.broadcast %broadcast_in_dim3A_270 : f32 to vector<128x64xf32>
    %while3A = arith.constant 0x7F800000 : f32
    %while3A_272 = arith.constant 0 : i32
    %while3A_273 = arith.subi %min3A_267, %while3A_272 : i32
    %while3A_274 = arith.addi %while3A_272, %while3A_273 : i32
    %while3A_275 = arith.constant 1 : i32
    %while3A_276 = arith.divsi %while3A_273, %while3A_275 : i32
    %while3A_277 = arith.muli %while3A_276, %while3A_275 : i32
    %while3A_278 = arith.addi %while3A_272, %while3A_277 : i32
    %while3A_279 = arith.constant 1 : i32
    %while3A_280:3 = scf.for %while3A_294 = %while3A_272 to %while3A_278 step %while3A_279 iter_args(%while3A_295 = %select_n3A_248, %while3A_296 = %broadcast_in_dim3A_269, %while3A_297 = %broadcast_in_dim3A_271) -> (vector<128x1024xf32>, vector<128x64xi32>, vector<128x64xf32>)  : i32 {
      %reduce_min3A = arith.constant dense<0x7F800000> : vector<128xf32>
      %reduce_min3A_298 = vector.multi_reduction <minimumf>, %while3A_295, %reduce_min3A [1] : vector<128x1024xf32> to vector<128xf32>
      %broadcast_in_dim3A_299 = vector.shape_cast %reduce_min3A_298 : vector<128xf32> to vector<128x1xf32>
      %eq3A_300 = vector.broadcast %broadcast_in_dim3A_299 : vector<128x1xf32> to vector<128x1024xf32>
      %eq3A_301 = arith.cmpf oeq, %while3A_295, %eq3A_300 : vector<128x1024xf32>
      %jit3A_302 = arith.constant 1073741824 : i32
      %broadcast_in_dim3A_303 = vector.broadcast %jit3A_302 : i32 to vector<128x1024xi32>
      %select_n3A_304 = arith.select %eq3A_301, %add3A_260, %broadcast_in_dim3A_303 : vector<128x1024xi1>, vector<128x1024xi32>
      %reduce_min3A_305 = arith.constant dense<2147483647> : vector<128xi32>
      %reduce_min3A_306 = vector.multi_reduction <minsi>, %select_n3A_304, %reduce_min3A_305 [1] : vector<128x1024xi32> to vector<128xi32>
      %broadcast_in_dim3A_307 = vector.shape_cast %reduce_min3A_306 : vector<128xi32> to vector<128x1xi32>
      %eq3A_308 = vector.broadcast %broadcast_in_dim3A_307 : vector<128x1xi32> to vector<128x1024xi32>
      %eq3A_309 = arith.cmpi eq, %add3A_260, %eq3A_308 : vector<128x1024xi32>
      %and3A_310 = arith.constant 1023 : i32
      %and3A_311 = vector.broadcast %and3A_310 : i32 to vector<128x1xi32>
      %and3A_312 = arith.andi %broadcast_in_dim3A_307, %and3A_311 : vector<128x1xi32>
      %broadcast_in_dim3A_313 = vector.broadcast %while3A : f32 to vector<128x1024xf32>
      %select_n3A_314 = arith.select %eq3A_309, %broadcast_in_dim3A_313, %while3A_295 : vector<128x1024xi1>, vector<128x1024xf32>
      %eq3A_315 = vector.broadcast %while3A_294 : i32 to vector<128x64xi32>
      %eq3A_316 = arith.cmpi eq, %iota3A_261, %eq3A_315 : vector<128x64xi32>
      %broadcast_in_dim3A_317 = vector.shape_cast %and3A_312 : vector<128x1xi32> to vector<128x1xi32>
      %broadcast_in_dim3A_318 = vector.broadcast %broadcast_in_dim3A_317 : vector<128x1xi32> to vector<128x64xi32>
      %select_n3A_319 = arith.select %eq3A_316, %broadcast_in_dim3A_318, %while3A_296 : vector<128x64xi1>, vector<128x64xi32>
      %broadcast_in_dim3A_320 = vector.shape_cast %broadcast_in_dim3A_299 : vector<128x1xf32> to vector<128x1xf32>
      %broadcast_in_dim3A_321 = vector.broadcast %broadcast_in_dim3A_320 : vector<128x1xf32> to vector<128x64xf32>
      %select_n3A_322 = arith.select %eq3A_316, %broadcast_in_dim3A_321, %while3A_297 : vector<128x64xi1>, vector<128x64xf32>
      scf.yield %select_n3A_314, %select_n3A_319, %select_n3A_322 : vector<128x1024xf32>, vector<128x64xi32>, vector<128x64xf32>
    }
    %while3A_281 = arith.constant 1 : i32
    %while3A_282:3 = scf.for %while3A_294 = %while3A_278 to %while3A_274 step %while3A_281 iter_args(%while3A_295 = %while3A_280#0, %while3A_296 = %while3A_280#1, %while3A_297 = %while3A_280#2) -> (vector<128x1024xf32>, vector<128x64xi32>, vector<128x64xf32>)  : i32 {
      %reduce_min3A = arith.constant dense<0x7F800000> : vector<128xf32>
      %reduce_min3A_298 = vector.multi_reduction <minimumf>, %while3A_295, %reduce_min3A [1] : vector<128x1024xf32> to vector<128xf32>
      %broadcast_in_dim3A_299 = vector.shape_cast %reduce_min3A_298 : vector<128xf32> to vector<128x1xf32>
      %eq3A_300 = vector.broadcast %broadcast_in_dim3A_299 : vector<128x1xf32> to vector<128x1024xf32>
      %eq3A_301 = arith.cmpf oeq, %while3A_295, %eq3A_300 : vector<128x1024xf32>
      %jit3A_302 = arith.constant 1073741824 : i32
      %broadcast_in_dim3A_303 = vector.broadcast %jit3A_302 : i32 to vector<128x1024xi32>
      %select_n3A_304 = arith.select %eq3A_301, %add3A_260, %broadcast_in_dim3A_303 : vector<128x1024xi1>, vector<128x1024xi32>
      %reduce_min3A_305 = arith.constant dense<2147483647> : vector<128xi32>
      %reduce_min3A_306 = vector.multi_reduction <minsi>, %select_n3A_304, %reduce_min3A_305 [1] : vector<128x1024xi32> to vector<128xi32>
      %broadcast_in_dim3A_307 = vector.shape_cast %reduce_min3A_306 : vector<128xi32> to vector<128x1xi32>
      %eq3A_308 = vector.broadcast %broadcast_in_dim3A_307 : vector<128x1xi32> to vector<128x1024xi32>
      %eq3A_309 = arith.cmpi eq, %add3A_260, %eq3A_308 : vector<128x1024xi32>
      %and3A_310 = arith.constant 1023 : i32
      %and3A_311 = vector.broadcast %and3A_310 : i32 to vector<128x1xi32>
      %and3A_312 = arith.andi %broadcast_in_dim3A_307, %and3A_311 : vector<128x1xi32>
      %broadcast_in_dim3A_313 = vector.broadcast %while3A : f32 to vector<128x1024xf32>
      %select_n3A_314 = arith.select %eq3A_309, %broadcast_in_dim3A_313, %while3A_295 : vector<128x1024xi1>, vector<128x1024xf32>
      %eq3A_315 = vector.broadcast %while3A_294 : i32 to vector<128x64xi32>
      %eq3A_316 = arith.cmpi eq, %iota3A_261, %eq3A_315 : vector<128x64xi32>
      %broadcast_in_dim3A_317 = vector.shape_cast %and3A_312 : vector<128x1xi32> to vector<128x1xi32>
      %broadcast_in_dim3A_318 = vector.broadcast %broadcast_in_dim3A_317 : vector<128x1xi32> to vector<128x64xi32>
      %select_n3A_319 = arith.select %eq3A_316, %broadcast_in_dim3A_318, %while3A_296 : vector<128x64xi1>, vector<128x64xi32>
      %broadcast_in_dim3A_320 = vector.shape_cast %broadcast_in_dim3A_299 : vector<128x1xf32> to vector<128x1xf32>
      %broadcast_in_dim3A_321 = vector.broadcast %broadcast_in_dim3A_320 : vector<128x1xf32> to vector<128x64xf32>
      %select_n3A_322 = arith.select %eq3A_316, %broadcast_in_dim3A_321, %while3A_297 : vector<128x64xi1>, vector<128x64xf32>
      scf.yield %select_n3A_314, %select_n3A_319, %select_n3A_322 : vector<128x1024xf32>, vector<128x64xi32>, vector<128x64xf32>
    }
    %mul3A_283 = arith.constant 128 : i32
    %mul3A_284 = arith.muli %arg0, %mul3A_283 : i32
    %iota3A_285 = tpu.iota {dimensions = array<i32: 0>} : vector<128x64xi32>
    %add3A_286 = vector.broadcast %mul3A_284 : i32 to vector<128x64xi32>
    %add3A_287 = arith.addi %add3A_286, %iota3A_285 : vector<128x64xi32>
    %lt3A_288 = arith.constant 0x7F800000 : f32
    %lt3A_289 = vector.broadcast %lt3A_288 : f32 to vector<128x64xf32>
    %lt3A_290 = arith.cmpf olt, %while3A_282#2, %lt3A_289 : vector<128x64xf32>
    %select_n3A_291 = arith.select %lt3A_290, %while3A_282#1, %add3A_287 : vector<128x64xi1>, vector<128x64xi32>
    %swap3A = arith.constant 0 : index
    %swap3A_292 = arith.constant 0 : index
    %swap3A_293 = vector.load %arg6[%swap3A, %swap3A_292] : memref<128x64xi32, #tpu.memory_space<vmem>>, vector<128x64xi32>
    tpu.vector_store %arg6[%swap3A, %swap3A_292], %select_n3A_291 {strides = array<i32>} : memref<128x64xi32, #tpu.memory_space<vmem>>, vector<128x64xi32>,
    return
  }
  func.func @transform_0(%arg0: i32) -> (i32, i32) {
    %c0_i32 = arith.constant 0 : i32
    %c0_i32_0 = arith.constant 0 : i32
    %c0_i32_1 = arith.constant 0 : i32
    return %c0_i32, %c0_i32_0 : i32, i32
  }
  func.func @transform_1(%arg0: i32) -> (i32, i32) {
    %c0_i32 = arith.constant 0 : i32
    %c0_i32_0 = arith.constant 0 : i32
    %c0_i32_1 = arith.constant 0 : i32
    return %c0_i32, %c0_i32_0 : i32, i32
  }
  func.func @transform_2(%arg0: i32) -> (i32, i32) {
    %c0_i32 = arith.constant 0 : i32
    %c0_i32_0 = arith.constant 0 : i32
    %c0_i32_1 = arith.constant 0 : i32
    return %c0_i32, %c0_i32_0 : i32, i32
  }
  func.func @transform_3(%arg0: i32) -> (i32, i32) {
    %c0_i32 = arith.constant 0 : i32
    %c0_i32_0 = arith.constant 0 : i32
    return %c0_i32, %arg0 : i32, i32
  }
  func.func @transform_4(%arg0: i32) -> (i32, i32) {
    %c0_i32 = arith.constant 0 : i32
    %c0_i32_0 = arith.constant 0 : i32
    return %c0_i32, %arg0 : i32, i32
  }
  func.func @transform_5(%arg0: i32) -> (i32, i32) {
    %c0_i32 = arith.constant 0 : i32
    %c0_i32_0 = arith.constant 0 : i32
    return %arg0, %c0_i32 : i32, i32
  }
}

</mosaic_0001>

<sc_bundles>
// kernel: kernel.4.cloned.1.call-start
scs
__scs_entry_jumppad:
0x0: {  	(pc) =	sbr.rel $0x88, $3  }
0x1: {  	(tag) =	ssettag $0x0;
	lr =	simm.s32 $0x1  }
0x2: {  	[smem:$0x3F9E] =	sst lr;
	_ =	strace $0xD0000000  }
0x3: {  	_ = 	snop  }
0x4: {  	_ = 	snop  }
0x5: {  	_ = 	snop  }
0x6: {  	_ = 	snop  }
0x7: {  	_ = 	snop  }
__scs_overlays_trampoline_lowered:
0x8: {  	[smem:$0x3FAD] =	sst s0  }
0x9: {  	[smem:$0x3FAE] =	sst s1  }
0xa: {  	[smem:$0x3FAF] =	sst s2  }
0xb: {  	[smem:$0x3FB0] =	sst s3  }
0xc: {  	[smem:$0x3FB1] =	sst s4  }
0xd: {  	[smem:$0x3FB2] =	sst s5  }
0xe: {  	[smem:$0x3FB3] =	sst s6  }
0xf: {  	[smem:$0x3FB4] =	sst s7  }
0x10: {  	[smem:$0x3FB5] =	sst s8  }
0x11: {  	[smem:$0x3FB6] =	sst s9;
	s0 =	simm.s32 @!p0 $0x0  }
0x12: {  	s1 =	sld [smem:$0x3F9C];
	s0 =	simm.s32 @p0 $0x1  }
0x13: {  	[smem:$0x3FB7] =	sst s0;
	s0 =	simm.s32 @!p1 $0x0  }
0x14: {  	s2 =	sld [smem:$0x3F9B];
	s0 =	simm.s32 @p1 $0x1  }
0x15: {  	[smem:$0x3FB8] =	sst s0;
	s0 =	simm.s32 @!p2 $0x0  }
0x16: {  	s3 =	sld [smem:$0x3FDB];
	s0 =	simm.s32 @p2 $0x1  }
0x17: {  	s4 =	simm.s32 $0x1BF5;
	[smem:$0x3FBA] =	sst s0  }
0x18: {  	s0 =	sld [smem:$0x3F9D];
	_ =	swait.ge [sflag:s4], $0x0  }
0x19: {  	s7 =	sld [smem:$0x3F9E]  }
0x1a: {  	s8 =	sadd.s32 $0xFFFFE003, lr  }
0x1b: {  	s9 =	sadd.s32 $0xFFFFFEF7, lr;
	s5 =	simm.s32 $0xFFFFFFFF;
	p2 =	slt.u32 s8, $0xFFFFF086  }
0x1c: {  	p1 =	slt.u32 s9, $0xF7A;
	s5 =	simm.s32 @!p2 $0x0  }
0x1d: {  	s5 =	simm.s32 @p1 $0x1;
	p0 =	seq.s32 s7, s2  }
0x1e: {  	s7 =	smul.u32 @!p0 $0xF7A, s2;
	p2 =	seq.s32 @!p0 s5, $0x0  }
0x1f: {  	s9 =	smul.u32 $0xF7A, s1;
	s8 =	simm.s32 @!p0 $0x1BF5;
	p2 =	por !p2, p0  }
0x20: {  	[sflag:s8] =	ssyncset.s32 @!p0 $0xFFFFF086;
	s6 =	sadd.s32 @!p0 s3, s7;
	s7 =	simm.s32 @!p0 $0x108  }
0x21: {  	s3 =	sadd.s32 s3, s9;
	s6 =	sadd.s32 @!p0 $0x88, s6;
	s7 =	simm.s32 @p2 $0x1082  }
0x22: {  	[simem:s7], [sflag:s8] =	dma.local @!p0 [hbm:s6], $0xF7A  }
0x23: {  	s9 =	sor.u32 $0xD0000000, s2;
	s6 =	simm.s32 $0x108;
	_ =	swait.ge @!p0 [sflag:s8], $0x0  }
0x24: {  	s3 =	sadd.s32 $0x88, s3;
	s6 =	simm.s32 @!p1 $0x1082;
	[sflag:s4] =	ssyncset.s32 $0xFFFFF086  }
0x25: {  	[simem:s6], [sflag:s4] =	dma.local [hbm:s3], $0xF7A  }
0x26: {  	[smem:$0x3F9E] =	sst s1;
	(tag) =	ssettag s2;
	_ =	strace s9  }
0x27: {  	s1 =	sld [smem:$0x3FAE]  }
0x28: {  	s2 =	sld [smem:$0x3FAF]  }
0x29: {  	s4 =	sld [smem:$0x3FB1]  }
0x2a: {  	p0 =	seq.s32 s5, $0x0;
	s5 =	sld [smem:$0x3FB2]  }
0x2b: {  	s6 =	sld [smem:$0x3FB3]  }
0x2c: {  	s7 =	sld [smem:$0x3FB4]  }
0x2d: {  	s3 =	simm.s32 $0x108;
	s8 =	sld [smem:$0x3FB5]  }
0x2e: {  	s3 =	simm.s32 @!p0 $0x1082;
	s9 =	sld [smem:$0x3FB6]  }
0x2f: {  	lr =	sadd.s32 s0, s3;
	s0 =	sld [smem:$0x3FAD]  }
0x30: {  	s3 =	sld [smem:$0x3FB0]  }
0x31: {  	[smem:$0x3FB9] =	sst s10  }
0x32: {  	s10 =	sld [smem:$0x3FB7];
	_ =	sdelay $0x3  }
0x33: {  	p0 =	seq.s32 s10, $0x1;
	s10 =	sld [smem:$0x3FB9];
	_ =	sdelay $0x3  }
0x34: {  	[smem:$0x3FB9] =	sst s10  }
0x35: {  	s10 =	sld [smem:$0x3FB8];
	_ =	sdelay $0x3  }
0x36: {  	p1 =	seq.s32 s10, $0x1;
	s10 =	sld [smem:$0x3FB9];
	_ =	sdelay $0x3  }
0x37: {  	[smem:$0x3FB9] =	sst s10  }
0x38: {  	s10 =	sld [smem:$0x3FBA]  }
0x39: {  	_ = 	snop;
	(pc) =	sbr.ind lr, $3  }
0x3a: {  	_ = 	snop  }
0x3b: {  	_ = 	snop  }
0x3c: {  	p2 =	seq.s32 s10, $0x1;
	s10 =	sld [smem:$0x3FB9]  }
0x3d: {  	_ =	shalt  }
0x3e: {  	_ =	shalt  }
0x3f: {  	_ =	shalt  }
0x40: {  	_ =	shalt  }
0x41: {  	_ =	shalt  }
0x42: {  	_ =	shalt  }
0x43: {  	_ =	shalt  }
0x44: {  	_ =	shalt  }
0x45: {  	_ =	shalt  }
0x46: {  	_ =	shalt  }
0x47: {  	_ =	shalt  }
0x48: {  	_ =	shalt  }
0x49: {  	_ =	shalt  }
0x4a: {  	_ =	shalt  }
0x4b: {  	_ =	shalt  }
0x4c: {  	_ =	shalt  }
0x4d: {  	_ =	shalt  }
0x4e: {  	_ =	shalt  }
0x4f: {  	_ =	shalt  }
0x50: {  	_ =	shalt  }
0x51: {  	_ =	shalt  }
0x52: {  	_ =	shalt  }
0x53: {  	_ =	shalt  }
0x54: {  	_ =	shalt  }
0x55: {  	_ =	shalt  }
0x56: {  	_ =	shalt  }
0x57: {  	_ =	shalt  }
0x58: {  	_ =	shalt  }
0x59: {  	_ =	shalt  }
0x5a: {  	_ =	shalt  }
0x5b: {  	_ =	shalt  }
0x5c: {  	_ =	shalt  }
0x5d: {  	_ =	shalt  }
0x5e: {  	_ =	shalt  }
0x5f: {  	_ =	shalt  }
0x60: {  	_ =	shalt  }
0x61: {  	_ =	shalt  }
0x62: {  	_ =	shalt  }
0x63: {  	_ =	shalt  }
0x64: {  	_ =	shalt  }
0x65: {  	_ =	shalt  }
0x66: {  	_ =	shalt  }
0x67: {  	_ =	shalt  }
0x68: {  	_ =	shalt  }
0x69: {  	_ =	shalt  }
0x6a: {  	_ =	shalt  }
0x6b: {  	_ =	shalt  }
0x6c: {  	_ =	shalt  }
0x6d: {  	_ =	shalt  }
0x6e: {  	_ =	shalt  }
0x6f: {  	_ =	shalt  }
0x70: {  	_ =	shalt  }
0x71: {  	_ =	shalt  }
0x72: {  	_ =	shalt  }
0x73: {  	_ =	shalt  }
0x74: {  	_ =	shalt  }
0x75: {  	_ =	shalt  }
0x76: {  	_ =	shalt  }
0x77: {  	_ =	shalt  }
0x78: {  	_ =	shalt  }
0x79: {  	_ =	shalt  }
0x7a: {  	_ =	shalt  }
0x7b: {  	_ =	shalt  }
0x7c: {  	_ =	shalt  }
0x7d: {  	_ =	shalt  }
0x7e: {  	_ =	shalt  }
0x7f: {  	_ =	shalt  }
0x80: {  	_ =	shalt  }
0x81: {  	_ =	shalt  }
0x82: {  	_ =	shalt  }
0x83: {  	_ =	shalt  }
0x84: {  	_ =	shalt  }
0x85: {  	_ =	shalt  }
0x86: {  	_ =	shalt  }
0x87: {  	_ =	shalt  }
.Lfunc_end0:
.L_simem_size_0:
called_computation_lowered:
.L_overlay_start_0:
0x88: {  	s2 =	sld [smem:$0x3FD9]  }
0x89: {  	s3 =	sld [smem:$0x3FFE];
	_ =	sdelay $0x1  }
0x8a: {  	s1 =	srdreg.scid  }
0x8b: {  	s0 =	sand.u32 $0x1, s1  }
0x8c: {  	s14 =	sshll.u32 s0, $0xA;
	s2 =	sadd.s32 s3, s2  }
0x8d: {  	s2 =	sadd.s32 s2, s14  }
0x8e: {  	[smem:$0x3FC5] =	sst s2  }
0x8f: {  	_ = 	snop  }
0x90: {  	s2 =	sld [smem:$0x3FD0];
	_ =	sdelay $0x2  }
0x91: {  	s15 =	simm.s32 $0xA;
	s4 =	simm.s32 $0x10  }
0x92: {  	[smem:s4], [sflag:s15] =	dma.local [hbm:s2], $0x1  }
0x93: {  	_ =	swait.eq [sflag:s15], $0x1  }
0x94: {  	[sflag:s15] =	ssyncset.done $0x0  }
0x95: {  	s16 =	sld [smem:$0x11];
	[sflag:s15] =	ssyncadd.s32 $0xFFFFFFFF  }
0x96: {  	s17 =	sld [smem:$0x12];
	(tm) =	ssettm $0x1  }
0x97: {  	s18 =	sld [smem:$0x3FFB];
	_ =	sdelay $0x3  }
0x98: {  	_ =	strace s18  }
0x99: {  	s4 =	sld [smem:$0x3FFC];
	_ =	sdelay $0x3  }
0x9a: {  	_ =	strace s4  }
0x9b: {  	s4 =	sld [smem:$0x3FFD];
	_ =	sdelay $0x3  }
0x9c: {  	_ =	strace s4  }
0x9d: {  	_ =	strace $0x8FFFFFFF  }
0x9e: {  	s19 =	sld [smem:$0x3FDB];
	_ =	sdelay $0x1  }
0x9f: {  	s5 =	simm.s32 $_scs_section_size  }
0xa0: {  	s6 =	simm.s32 $_size__tile_overlayer_lowered;
	s7 =	simm.s32 $_tile_overlayer_lowered  }
0xa1: {  	s22 =	simm.s32 $0x1BFF;
	s21 =	sshll.u32 s7, $0x1;
	s4 =	sadd.s32 s5, s19  }
0xa2: {  	s8 =	simm.s32 $0x0;
	s20 =	sshll.u32 s6, $0x1;
	s6 =	sadd.s32 s21, s4  }
0xa3: {  	[timem:s8], [sflag:s22] =	dma.local [hbm:s6], s20  }
0xa4: {  	_ =	swait.ge [sflag:s22], s20  }
0xa5: {  	s5 =	ssub.s32 $0x0, s20;
	[sflag:s22] =	ssyncset.done $0x0  }
0xa6: {  	[sflag:s22] =	ssyncadd.s32 s5;
	_ =	sdelay $0x1  }
0xa7: {  	s23 =	simm.s32 $0x1B8B  }
0xa8: {  	_ =	swait.ge [sflag:s23], $0x1  }
0xa9: {  	[sflag:s23] =	ssyncset.done $0x0  }
0xaa: {  	s25 =	simm.s32 $0x1B8E;
	s24 =	sld [smem:$0x3FFE];
	[sflag:s23] =	ssyncadd.s32 $0xFFFFFFFF  }
0xab: {  	s26 =	simm.s32 $execute0_lowered;
	[smem:$0x3FD2] =	sst s25  }
0xac: {  	s6 =	sshll.u32 s26, $0x1;
	_ =	strace $0x80000046;
	[dreg:$0x1] =	wrdreg $0xFFFFFFFF  }
0xad: {  	s28 =	simm.s32 $_size_execute0_lowered;
	s4 =	sadd.s32 s4, s6;
	[dreg:$0x0] =	wrdreg $0x0  }
0xae: {  	s6 =	sshll.u32 s28, $0x1;
	[dreg:$0x2] =	wrdreg s4  }
0xaf: {  	[dreg:$0x3] =	wrdreg s6  }
0xb0: {  	[dreg:$0x4] =	wrdreg $0xC0  }
0xb1: {  	_ =	task [dreg:s8], $0x5FFFF  }
0xb2: {  	[dreg:$0x1] =	wrdreg $0xFFFFFFFF  }
0xb3: {  	[dreg:$0x0] =	wrdreg $0x60  }
0xb4: {  	[dreg:$0x2] =	wrdreg s24  }
0xb5: {  	[dreg:$0x3] =	wrdreg s17  }
0xb6: {  	[dreg:$0x4] =	wrdreg s16  }
0xb7: {  	[dreg:$0x5] =	wrdreg $0x9  }
0xb8: {  	_ =	task.clear_ibuf [dreg:s8], $0x6FFFF;
	_ =	strace $0x90000046  }
0xb9: {  	s29 =	simm.s32 $0x9;
	_ =	strace $0x80000048  }
0xba: {  	_ =	swait.ge [sflag:s29], $0x1  }
0xbb: {  	[sflag:s29] =	ssyncadd.s32 $0xFFFFFFFF  }
0xbc: {  	_ =	strace $0x90000048  }
0xbd: {  	_ =	sfence  }
0xbe: {  	s30 =	sld [smem:$0x0];
	_ =	sdelay $0x2  }
0xbf: {  	s31 =	sshll.u32 s1, $0xD;
	s1 =	sshrl.u32 s1, $0x2  }
0xc0: {  	s3 =	sand.u32 $0x4000, s31;
	s1 =	sadd.s32 s1, s30  }
0xc1: {  	s0 =	sor.u32 s3, s0;
	s1 =	sshll.u32 s1, $0x11  }
0xc2: {  	s0 =	sor.u32 s1, s0  }
0xc3: {  	s0 =	sadd.s32 $0x8F2B, s0  }
0xc4: {  	[sflag:s0] =	ssyncadd.remote.s32 $0x1  }
0xc5: {  	_ =	sfence.sel $0xFFFF  }
0xc6: {  	[dreg:$0x0] =	wrdreg $0xFFFFFFFF;
	(pc) =	sbr.abs _section_cstart, $3  }
0xc7: {  	[dreg:$0x1] =	wrdreg $0xFFFFFFFF  }
0xc8: {  	_ =	task.clear_ibuf [dreg:s8], $0x2FFFF;
	_ =	strace $0x9FFFFFFF  }
0xc9: {  	(tm) =	ssettm $0x7FFFFFFF  }
tec
execute0_lowered:
.L_overlay_start_1:
0x0: {  	(tag) =	ssettag $0x1  }
0x1: {  	s0 =	rddreg [dreg:$0x0]  }
0x2: {  	s2 =	rddreg [dreg:$0x1]  }
0x3: {  	s6 =	rddreg [dreg:$0x2]  }
0x4: {  	s1 =	simm.s32 $0x0;
	s4 =	srdreg.scid;
	s5 =	stileid.u32  }
0x5: {  	s16 =	simm.s32 $0x2;
	s30 =	simm.s32 $0x100;
	s17 =	simm.s32 $0x180  }
0x6: {  	s28 =	simm.s32 $0x280;
	[smem:$0x7FF] =	sst s1;
	s4 =	sand.u32 $0x1, s4  }
0x7: {  	s3 =	sadd.s32 $0x1A00, s0;
	s5 =	sshll.u32 s5, $0x9;
	s7 =	sshll.u32 s4, $0x8  }
0x8: {  	_ =	strace $0x80000047;
	s8 =	ssub.s32 $0x2, s4;
	s7 =	sor.u32 s7, s5  }
0x9: {  	s4 =	sadd.s32 $0x1600, s0;
	s5 =	sadd.s32 $0x1800, s0;
	s2 =	sadd.s32 s2, s7  }
0xa: {  	s0 =	sadd.s32 s7, s0;
	s25 =	sadd.s32 s6, s7;
	[dreg:$0x4] =	wrdreg s2  }
0xb: {  	s31 =	simm.s32 $0x400;
	s19 =	sadd.s32 $0x1C00, s0;
	[dreg:$0xc] =	wrdreg s25  }
0xc: {  	s29 =	simm.s32 $0x680;
	s20 =	sadd.s32 $0x7C00, s0;
	[dreg:$0x5] =	wrdreg s19  }
0xd: {  	s18 =	simm.s32 $0x780;
	s21 =	sadd.s32 $0x3C00, s0;
	[dreg:$0x6] =	wrdreg s20  }
0xe: {  	s9 =	sshrl.u32 s8, $0x1;
	s22 =	sadd.s32 $0x5C00, s0;
	[dreg:$0x7] =	wrdreg s21  }
0xf: {  	s8 =	ssub.s32 s8, s9;
	s23 =	sadd.s32 $0x9C00, s0;
	[dreg:$0x8] =	wrdreg s22  }
0x10: {  	s6 =	simm.s32 $0x0;
	s24 =	sadd.s32 $0xBC00, s0;
	[dreg:$0x9] =	wrdreg s23  }
0x11: {  	s0 =	sadd.s32 $0xDC00, s0;
	s26 =	smax.u32 s8, $0x1;
	[dreg:$0xa] =	wrdreg s24  }
0x12: {  	s25 =	simm.s32 $0x1;
	s2 =	simm.s32 $0x300;
	[dreg:$0xb] =	wrdreg s0  }
0x13: {  	[dreg:$0xd] =	wrdreg s26;
	s21 =	simm.s32 $0x80;
	s22 =	simm.s32 $0x200  }
0x14: {  	s23 =	simm.s32 $0x380;
	s20 =	simm.s32 $0x480;
	s0 =	simm.s32 $0x500  }
0x15: {  	s26 =	simm.s32 $0x580;
	s24 =	simm.s32 $0x600;
	s19 =	simm.s32 $0x700  }
.LBB2_1:
0x16: {  	s7 =	rddreg [dreg:$0x4]  }
0x17: {  	[tilespmem:s1], [sflag:$0x2] =	stream.linear.gather [hbm4b:s7+s1], $0x800, $0x38;
	[tilespmem:$0x6000] =	vst v63  }
0x18: {  	_ =	swait.ge [sflag:s16], $0x800  }
0x19: {  	[sflag:s16] =	ssyncset.done $0x0  }
0x1a: {  	s8 =	simm.s32 $0x800;
	s9 =	rddreg [dreg:$0x5];
	[sflag:s16] =	ssyncadd.s32 $0xFFFFF800  }
0x1b: {  	[tilespmem:s8], [sflag:$0x2] =	stream.linear.gather [hbm4b:s9+s1], $0x800, $0x38;
	[tilespmem:$0x6000] =	vst v63  }
0x1c: {  	_ =	swait.ge [sflag:s16], $0x800  }
0x1d: {  	[sflag:s16] =	ssyncset.done $0x0  }
0x1e: {  	s11 =	simm.s32 $0x2800;
	s10 =	rddreg [dreg:$0x6];
	[sflag:s16] =	ssyncadd.s32 $0xFFFFF800  }
0x1f: {  	[tilespmem:s11], [sflag:$0x2] =	stream.linear.gather [hbm4b:s10+s1], $0x800, $0x38;
	[tilespmem:$0x6000] =	vst v63  }
0x20: {  	_ =	swait.ge [sflag:s16], $0x800  }
0x21: {  	[sflag:s16] =	ssyncset.done $0x0  }
0x22: {  	s13 =	simm.s32 $0x3000;
	s12 =	rddreg [dreg:$0x7];
	[sflag:s16] =	ssyncadd.s32 $0xFFFFF800  }
0x23: {  	[tilespmem:s13], [sflag:$0x2] =	stream.linear.gather [hbm4b:s12+s1], $0x800, $0x38;
	[tilespmem:$0x6000] =	vst v63  }
0x24: {  	_ =	swait.ge [sflag:s16], $0x800  }
0x25: {  	[sflag:s16] =	ssyncset.done $0x0  }
0x26: {  	s15 =	simm.s32 $0x3800;
	s14 =	rddreg [dreg:$0x8];
	[sflag:s16] =	ssyncadd.s32 $0xFFFFF800  }
0x27: {  	[tilespmem:s15], [sflag:$0x2] =	stream.linear.gather [hbm4b:s14+s1], $0x800, $0x38;
	[tilespmem:$0x6000] =	vst v63  }
0x28: {  	_ =	swait.ge [sflag:s16], $0x800  }
0x29: {  	[sflag:s16] =	ssyncset.done $0x0  }
0x2a: {  	s8 =	simm.s32 $0x1000;
	[sflag:s16] =	ssyncadd.s32 $0xFFFFF800  }
0x2b: {  	[tilespmem:s8], [sflag:$0x1] =	stream.indirect.gather [hbm4b:s3+s21], $0x1, s1, s21, $0xb8;
	[tilespmem:$0x6000] =	vst v63  }
0x2c: {  	s9 =	simm.s32 $0x1800  }
0x2d: {  	[tilespmem:s9], [sflag:$0x1] =	stream.indirect.gather [hbm4b:s4+s21], $0x1, s1, s21, $0xb8;
	[tilespmem:$0x6000] =	vst v63  }
0x2e: {  	s10 =	simm.s32 $0x2000  }
0x2f: {  	[tilespmem:s10], [sflag:$0x1] =	stream.indirect.gather [hbm4b:s5+s21], $0x1, s1, s21, $0xb8;
	[tilespmem:$0x6000] =	vst v63  }
0x30: {  	_ =	swait.ge [sflag:s25], $0x80  }
0x31: {  	[sflag:s25] =	ssyncset.done $0x0  }
0x32: {  	[sflag:s25] =	ssyncadd.s32 $0xFFFFFF80  }
0x33: {  	_ =	swait.ge [sflag:s25], $0x80  }
0x34: {  	[sflag:s25] =	ssyncset.done $0x0  }
0x35: {  	[sflag:s25] =	ssyncadd.s32 $0xFFFFFF80  }
0x36: {  	_ =	swait.ge [sflag:s25], $0x80  }
0x37: {  	[sflag:s25] =	ssyncset.done $0x0  }
0x38: {  	s11 =	simm.s32 $0x1080;
	[sflag:s25] =	ssyncadd.s32 $0xFFFFFF80  }
0x39: {  	[tilespmem:s11], [sflag:$0x1] =	stream.indirect.gather [hbm4b:s3+s21], $0x1, s21, s21, $0xb8;
	[tilespmem:$0x6000] =	vst v63  }
0x3a: {  	s12 =	simm.s32 $0x1880  }
0x3b: {  	[tilespmem:s12], [sflag:$0x1] =	stream.indirect.gather [hbm4b:s4+s21], $0x1, s21, s21, $0xb8;
	[tilespmem:$0x6000] =	vst v63  }
0x3c: {  	s13 =	simm.s32 $0x2080  }
0x3d: {  	[tilespmem:s13], [sflag:$0x1] =	stream.indirect.gather [hbm4b:s5+s21], $0x1, s21, s21, $0xb8;
	[tilespmem:$0x6000] =	vst v63  }
0x3e: {  	_ =	swait.ge [sflag:s25], $0x80  }
0x3f: {  	[sflag:s25] =	ssyncset.done $0x0  }
0x40: {  	[sflag:s25] =	ssyncadd.s32 $0xFFFFFF80  }
0x41: {  	_ =	swait.ge [sflag:s25], $0x80  }
0x42: {  	[sflag:s25] =	ssyncset.done $0x0  }
0x43: {  	[sflag:s25] =	ssyncadd.s32 $0xFFFFFF80  }
0x44: {  	_ =	swait.ge [sflag:s25], $0x80  }
0x45: {  	[sflag:s25] =	ssyncset.done $0x0  }
0x46: {  	s14 =	simm.s32 $0x1100;
	[sflag:s25] =	ssyncadd.s32 $0xFFFFFF80  }
0x47: {  	[tilespmem:s14], [sflag:$0x1] =	stream.indirect.gather [hbm4b:s3+s21], $0x1, s30, s21, $0xb8;
	[tilespmem:$0x6000] =	vst v63  }
0x48: {  	s15 =	simm.s32 $0x1900  }
0x49: {  	[tilespmem:s15], [sflag:$0x1] =	stream.indirect.gather [hbm4b:s4+s21], $0x1, s30, s21, $0xb8;
	[tilespmem:$0x6000] =	vst v63  }
0x4a: {  	s8 =	simm.s32 $0x2100  }
0x4b: {  	[tilespmem:s8], [sflag:$0x1] =	stream.indirect.gather [hbm4b:s5+s21], $0x1, s30, s21, $0xb8;
	[tilespmem:$0x6000] =	vst v63  }
0x4c: {  	_ =	swait.ge [sflag:s25], $0x80  }
0x4d: {  	[sflag:s25] =	ssyncset.done $0x0  }
0x4e: {  	[sflag:s25] =	ssyncadd.s32 $0xFFFFFF80  }
0x4f: {  	_ =	swait.ge [sflag:s25], $0x80  }
0x50: {  	[sflag:s25] =	ssyncset.done $0x0  }
0x51: {  	[sflag:s25] =	ssyncadd.s32 $0xFFFFFF80  }
0x52: {  	_ =	swait.ge [sflag:s25], $0x80  }
0x53: {  	[sflag:s25] =	ssyncset.done $0x0  }
0x54: {  	s9 =	simm.s32 $0x1180;
	[sflag:s25] =	ssyncadd.s32 $0xFFFFFF80  }
0x55: {  	[tilespmem:s9], [sflag:$0x1] =	stream.indirect.gather [hbm4b:s3+s21], $0x1, s17, s21, $0xb8;
	[tilespmem:$0x6000] =	vst v63  }
0x56: {  	s10 =	simm.s32 $0x1980  }
0x57: {  	[tilespmem:s10], [sflag:$0x1] =	stream.indirect.gather [hbm4b:s4+s21], $0x1, s17, s21, $0xb8;
	[tilespmem:$0x6000] =	vst v63  }
0x58: {  	s11 =	simm.s32 $0x2180  }
0x59: {  	[tilespmem:s11], [sflag:$0x1] =	stream.indirect.gather [hbm4b:s5+s21], $0x1, s17, s21, $0xb8;
	[tilespmem:$0x6000] =	vst v63  }
0x5a: {  	_ =	swait.ge [sflag:s25], $0x80  }
0x5b: {  	[sflag:s25] =	ssyncset.done $0x0  }
0x5c: {  	[sflag:s25] =	ssyncadd.s32 $0xFFFFFF80  }
0x5d: {  	_ =	swait.ge [sflag:s25], $0x80  }
0x5e: {  	[sflag:s25] =	ssyncset.done $0x0  }
0x5f: {  	[sflag:s25] =	ssyncadd.s32 $0xFFFFFF80  }
0x60: {  	_ =	swait.ge [sflag:s25], $0x80  }
0x61: {  	[sflag:s25] =	ssyncset.done $0x0  }
0x62: {  	s12 =	simm.s32 $0x1200;
	[sflag:s25] =	ssyncadd.s32 $0xFFFFFF80  }
0x63: {  	[tilespmem:s12], [sflag:$0x1] =	stream.indirect.gather [hbm4b:s3+s21], $0x1, s22, s21, $0xb8;
	[tilespmem:$0x6000] =	vst v63  }
0x64: {  	s13 =	simm.s32 $0x1A00  }
0x65: {  	[tilespmem:s13], [sflag:$0x1] =	stream.indirect.gather [hbm4b:s4+s21], $0x1, s22, s21, $0xb8;
	[tilespmem:$0x6000] =	vst v63  }
0x66: {  	s14 =	simm.s32 $0x2200  }
0x67: {  	[tilespmem:s14], [sflag:$0x1] =	stream.indirect.gather [hbm4b:s5+s21], $0x1, s22, s21, $0xb8;
	[tilespmem:$0x6000] =	vst v63  }
0x68: {  	_ =	swait.ge [sflag:s25], $0x80  }
0x69: {  	[sflag:s25] =	ssyncset.done $0x0  }
0x6a: {  	[sflag:s25] =	ssyncadd.s32 $0xFFFFFF80  }
0x6b: {  	_ =	swait.ge [sflag:s25], $0x80  }
0x6c: {  	[sflag:s25] =	ssyncset.done $0x0  }
0x6d: {  	[sflag:s25] =	ssyncadd.s32 $0xFFFFFF80  }
0x6e: {  	_ =	swait.ge [sflag:s25], $0x80  }
0x6f: {  	[sflag:s25] =	ssyncset.done $0x0  }
0x70: {  	s15 =	simm.s32 $0x1280;
	[sflag:s25] =	ssyncadd.s32 $0xFFFFFF80  }
0x71: {  	[tilespmem:s15], [sflag:$0x1] =	stream.indirect.gather [hbm4b:s3+s21], $0x1, s28, s21, $0xb8;
	[tilespmem:$0x6000] =	vst v63  }
0x72: {  	s8 =	simm.s32 $0x1A80  }
0x73: {  	[tilespmem:s8], [sflag:$0x1] =	stream.indirect.gather [hbm4b:s4+s21], $0x1, s28, s21, $0xb8;
	[tilespmem:$0x6000] =	vst v63  }
0x74: {  	s9 =	simm.s32 $0x2280  }
0x75: {  	[tilespmem:s9], [sflag:$0x1] =	stream.indirect.gather [hbm4b:s5+s21], $0x1, s28, s21, $0xb8;
	[tilespmem:$0x6000] =	vst v63  }
0x76: {  	_ =	swait.ge [sflag:s25], $0x80  }
0x77: {  	[sflag:s25] =	ssyncset.done $0x0  }
0x78: {  	[sflag:s25] =	ssyncadd.s32 $0xFFFFFF80  }
0x79: {  	_ =	swait.ge [sflag:s25], $0x80  }
0x7a: {  	[sflag:s25] =	ssyncset.done $0x0  }
0x7b: {  	[sflag:s25] =	ssyncadd.s32 $0xFFFFFF80  }
0x7c: {  	_ =	swait.ge [sflag:s25], $0x80  }
0x7d: {  	[sflag:s25] =	ssyncset.done $0x0  }
0x7e: {  	s10 =	simm.s32 $0x1300;
	[sflag:s25] =	ssyncadd.s32 $0xFFFFFF80  }
0x7f: {  	[tilespmem:s10], [sflag:$0x1] =	stream.indirect.gather [hbm4b:s3+s21], $0x1, s2, s21, $0xb8;
	[tilespmem:$0x6000] =	vst v63  }
0x80: {  	s11 =	simm.s32 $0x1B00  }
0x81: {  	[tilespmem:s11], [sflag:$0x1] =	stream.indirect.gather [hbm4b:s4+s21], $0x1, s2, s21, $0xb8;
	[tilespmem:$0x6000] =	vst v63  }
0x82: {  	s12 =	simm.s32 $0x2300  }
0x83: {  	[tilespmem:s12], [sflag:$0x1] =	stream.indirect.gather [hbm4b:s5+s21], $0x1, s2, s21, $0xb8;
	[tilespmem:$0x6000] =	vst v63  }
0x84: {  	_ =	swait.ge [sflag:s25], $0x80  }
0x85: {  	[sflag:s25] =	ssyncset.done $0x0  }
0x86: {  	[sflag:s25] =	ssyncadd.s32 $0xFFFFFF80  }
0x87: {  	_ =	swait.ge [sflag:s25], $0x80  }
0x88: {  	[sflag:s25] =	ssyncset.done $0x0  }
0x89: {  	[sflag:s25] =	ssyncadd.s32 $0xFFFFFF80  }
0x8a: {  	_ =	swait.ge [sflag:s25], $0x80  }
0x8b: {  	[sflag:s25] =	ssyncset.done $0x0  }
0x8c: {  	s13 =	simm.s32 $0x1380;
	[sflag:s25] =	ssyncadd.s32 $0xFFFFFF80  }
0x8d: {  	[tilespmem:s13], [sflag:$0x1] =	stream.indirect.gather [hbm4b:s3+s21], $0x1, s23, s21, $0xb8;
	[tilespmem:$0x6000] =	vst v63  }
0x8e: {  	s14 =	simm.s32 $0x1B80  }
0x8f: {  	[tilespmem:s14], [sflag:$0x1] =	stream.indirect.gather [hbm4b:s4+s21], $0x1, s23, s21, $0xb8;
	[tilespmem:$0x6000] =	vst v63  }
0x90: {  	s15 =	simm.s32 $0x2380  }
0x91: {  	[tilespmem:s15], [sflag:$0x1] =	stream.indirect.gather [hbm4b:s5+s21], $0x1, s23, s21, $0xb8;
	[tilespmem:$0x6000] =	vst v63  }
0x92: {  	_ =	swait.ge [sflag:s25], $0x80  }
0x93: {  	[sflag:s25] =	ssyncset.done $0x0  }
0x94: {  	[sflag:s25] =	ssyncadd.s32 $0xFFFFFF80  }
0x95: {  	_ =	swait.ge [sflag:s25], $0x80  }
0x96: {  	[sflag:s25] =	ssyncset.done $0x0  }
0x97: {  	[sflag:s25] =	ssyncadd.s32 $0xFFFFFF80  }
0x98: {  	_ =	swait.ge [sflag:s25], $0x80  }
0x99: {  	[sflag:s25] =	ssyncset.done $0x0  }
0x9a: {  	s8 =	simm.s32 $0x1400;
	[sflag:s25] =	ssyncadd.s32 $0xFFFFFF80  }
0x9b: {  	[tilespmem:s8], [sflag:$0x1] =	stream.indirect.gather [hbm4b:s3+s21], $0x1, s31, s21, $0xb8;
	[tilespmem:$0x6000] =	vst v63  }
0x9c: {  	s9 =	simm.s32 $0x1C00  }
0x9d: {  	[tilespmem:s9], [sflag:$0x1] =	stream.indirect.gather [hbm4b:s4+s21], $0x1, s31, s21, $0xb8;
	[tilespmem:$0x6000] =	vst v63  }
0x9e: {  	s10 =	simm.s32 $0x2400  }
0x9f: {  	[tilespmem:s10], [sflag:$0x1] =	stream.indirect.gather [hbm4b:s5+s21], $0x1, s31, s21, $0xb8;
	[tilespmem:$0x6000] =	vst v63  }
0xa0: {  	_ =	swait.ge [sflag:s25], $0x80  }
0xa1: {  	[sflag:s25] =	ssyncset.done $0x0  }
0xa2: {  	[sflag:s25] =	ssyncadd.s32 $0xFFFFFF80  }
0xa3: {  	_ =	swait.ge [sflag:s25], $0x80  }
0xa4: {  	[sflag:s25] =	ssyncset.done $0x0  }
0xa5: {  	[sflag:s25] =	ssyncadd.s32 $0xFFFFFF80  }
0xa6: {  	_ =	swait.ge [sflag:s25], $0x80  }
0xa7: {  	[sflag:s25] =	ssyncset.done $0x0  }
0xa8: {  	s11 =	simm.s32 $0x1480;
	[sflag:s25] =	ssyncadd.s32 $0xFFFFFF80  }
0xa9: {  	[tilespmem:s11], [sflag:$0x1] =	stream.indirect.gather [hbm4b:s3+s21], $0x1, s20, s21, $0xb8;
	[tilespmem:$0x6000] =	vst v63  }
0xaa: {  	s12 =	simm.s32 $0x1C80  }
0xab: {  	[tilespmem:s12], [sflag:$0x1] =	stream.indirect.gather [hbm4b:s4+s21], $0x1, s20, s21, $0xb8;
	[tilespmem:$0x6000] =	vst v63  }
0xac: {  	s13 =	simm.s32 $0x2480  }
0xad: {  	[tilespmem:s13], [sflag:$0x1] =	stream.indirect.gather [hbm4b:s5+s21], $0x1, s20, s21, $0xb8;
	[tilespmem:$0x6000] =	vst v63  }
0xae: {  	_ =	swait.ge [sflag:s25], $0x80  }
0xaf: {  	[sflag:s25] =	ssyncset.done $0x0  }
0xb0: {  	[sflag:s25] =	ssyncadd.s32 $0xFFFFFF80  }
0xb1: {  	_ =	swait.ge [sflag:s25], $0x80  }
0xb2: {  	[sflag:s25] =	ssyncset.done $0x0  }
0xb3: {  	[sflag:s25] =	ssyncadd.s32 $0xFFFFFF80  }
0xb4: {  	_ =	swait.ge [sflag:s25], $0x80  }
0xb5: {  	[sflag:s25] =	ssyncset.done $0x0  }
0xb6: {  	s14 =	simm.s32 $0x1500;
	[sflag:s25] =	ssyncadd.s32 $0xFFFFFF80  }
0xb7: {  	[tilespmem:s14], [sflag:$0x1] =	stream.indirect.gather [hbm4b:s3+s21], $0x1, s0, s21, $0xb8;
	[tilespmem:$0x6000] =	vst v63  }
0xb8: {  	s15 =	simm.s32 $0x1D00  }
0xb9: {  	[tilespmem:s15], [sflag:$0x1] =	stream.indirect.gather [hbm4b:s4+s21], $0x1, s0, s21, $0xb8;
	[tilespmem:$0x6000] =	vst v63  }
0xba: {  	s8 =	simm.s32 $0x2500  }
0xbb: {  	[tilespmem:s8], [sflag:$0x1] =	stream.indirect.gather [hbm4b:s5+s21], $0x1, s0, s21, $0xb8;
	[tilespmem:$0x6000] =	vst v63  }
0xbc: {  	_ =	swait.ge [sflag:s25], $0x80  }
0xbd: {  	[sflag:s25] =	ssyncset.done $0x0  }
0xbe: {  	[sflag:s25] =	ssyncadd.s32 $0xFFFFFF80  }
0xbf: {  	_ =	swait.ge [sflag:s25], $0x80  }
0xc0: {  	[sflag:s25] =	ssyncset.done $0x0  }
0xc1: {  	[sflag:s25] =	ssyncadd.s32 $0xFFFFFF80  }
0xc2: {  	_ =	swait.ge [sflag:s25], $0x80  }
0xc3: {  	[sflag:s25] =	ssyncset.done $0x0  }
0xc4: {  	s9 =	simm.s32 $0x1580;
	[sflag:s25] =	ssyncadd.s32 $0xFFFFFF80  }
0xc5: {  	[tilespmem:s9], [sflag:$0x1] =	stream.indirect.gather [hbm4b:s3+s21], $0x1, s26, s21, $0xb8;
	[tilespmem:$0x6000] =	vst v63  }
0xc6: {  	s10 =	simm.s32 $0x1D80  }
0xc7: {  	[tilespmem:s10], [sflag:$0x1] =	stream.indirect.gather [hbm4b:s4+s21], $0x1, s26, s21, $0xb8;
	[tilespmem:$0x6000] =	vst v63  }
0xc8: {  	s11 =	simm.s32 $0x2580  }
0xc9: {  	[tilespmem:s11], [sflag:$0x1] =	stream.indirect.gather [hbm4b:s5+s21], $0x1, s26, s21, $0xb8;
	[tilespmem:$0x6000] =	vst v63  }
0xca: {  	_ =	swait.ge [sflag:s25], $0x80  }
0xcb: {  	[sflag:s25] =	ssyncset.done $0x0  }
0xcc: {  	[sflag:s25] =	ssyncadd.s32 $0xFFFFFF80  }
0xcd: {  	_ =	swait.ge [sflag:s25], $0x80  }
0xce: {  	[sflag:s25] =	ssyncset.done $0x0  }
0xcf: {  	[sflag:s25] =	ssyncadd.s32 $0xFFFFFF80  }
0xd0: {  	_ =	swait.ge [sflag:s25], $0x80  }
0xd1: {  	[sflag:s25] =	ssyncset.done $0x0  }
0xd2: {  	s12 =	simm.s32 $0x1600;
	[sflag:s25] =	ssyncadd.s32 $0xFFFFFF80  }
0xd3: {  	[tilespmem:s12], [sflag:$0x1] =	stream.indirect.gather [hbm4b:s3+s21], $0x1, s24, s21, $0xb8;
	[tilespmem:$0x6000] =	vst v63  }
0xd4: {  	s13 =	simm.s32 $0x1E00  }
0xd5: {  	[tilespmem:s13], [sflag:$0x1] =	stream.indirect.gather [hbm4b:s4+s21], $0x1, s24, s21, $0xb8;
	[tilespmem:$0x6000] =	vst v63  }
0xd6: {  	s14 =	simm.s32 $0x2600  }
0xd7: {  	[tilespmem:s14], [sflag:$0x1] =	stream.indirect.gather [hbm4b:s5+s21], $0x1, s24, s21, $0xb8;
	[tilespmem:$0x6000] =	vst v63  }
0xd8: {  	_ =	swait.ge [sflag:s25], $0x80  }
0xd9: {  	[sflag:s25] =	ssyncset.done $0x0  }
0xda: {  	[sflag:s25] =	ssyncadd.s32 $0xFFFFFF80  }
0xdb: {  	_ =	swait.ge [sflag:s25], $0x80  }
0xdc: {  	[sflag:s25] =	ssyncset.done $0x0  }
0xdd: {  	[sflag:s25] =	ssyncadd.s32 $0xFFFFFF80  }
0xde: {  	_ =	swait.ge [sflag:s25], $0x80  }
0xdf: {  	[sflag:s25] =	ssyncset.done $0x0  }
0xe0: {  	s15 =	simm.s32 $0x1680;
	[sflag:s25] =	ssyncadd.s32 $0xFFFFFF80  }
0xe1: {  	[tilespmem:s15], [sflag:$0x1] =	stream.indirect.gather [hbm4b:s3+s21], $0x1, s29, s21, $0xb8;
	[tilespmem:$0x6000] =	vst v63  }
0xe2: {  	s8 =	simm.s32 $0x1E80  }
0xe3: {  	[tilespmem:s8], [sflag:$0x1] =	stream.indirect.gather [hbm4b:s4+s21], $0x1, s29, s21, $0xb8;
	[tilespmem:$0x6000] =	vst v63  }
0xe4: {  	s9 =	simm.s32 $0x2680  }
0xe5: {  	[tilespmem:s9], [sflag:$0x1] =	stream.indirect.gather [hbm4b:s5+s21], $0x1, s29, s21, $0xb8;
	[tilespmem:$0x6000] =	vst v63  }
0xe6: {  	_ =	swait.ge [sflag:s25], $0x80  }
0xe7: {  	[sflag:s25] =	ssyncset.done $0x0  }
0xe8: {  	[sflag:s25] =	ssyncadd.s32 $0xFFFFFF80  }
0xe9: {  	_ =	swait.ge [sflag:s25], $0x80  }
0xea: {  	[sflag:s25] =	ssyncset.done $0x0  }
0xeb: {  	[sflag:s25] =	ssyncadd.s32 $0xFFFFFF80  }
0xec: {  	_ =	swait.ge [sflag:s25], $0x80  }
0xed: {  	[sflag:s25] =	ssyncset.done $0x0  }
0xee: {  	s10 =	simm.s32 $0x1700;
	[sflag:s25] =	ssyncadd.s32 $0xFFFFFF80  }
0xef: {  	[tilespmem:s10], [sflag:$0x1] =	stream.indirect.gather [hbm4b:s3+s21], $0x1, s19, s21, $0xb8;
	[tilespmem:$0x6000] =	vst v63  }
0xf0: {  	s11 =	simm.s32 $0x1F00  }
0xf1: {  	[tilespmem:s11], [sflag:$0x1] =	stream.indirect.gather [hbm4b:s4+s21], $0x1, s19, s21, $0xb8;
	[tilespmem:$0x6000] =	vst v63  }
0xf2: {  	s12 =	simm.s32 $0x2700  }
0xf3: {  	[tilespmem:s12], [sflag:$0x1] =	stream.indirect.gather [hbm4b:s5+s21], $0x1, s19, s21, $0xb8;
	[tilespmem:$0x6000] =	vst v63  }
0xf4: {  	_ =	swait.ge [sflag:s25], $0x80  }
0xf5: {  	[sflag:s25] =	ssyncset.done $0x0  }
0xf6: {  	[sflag:s25] =	ssyncadd.s32 $0xFFFFFF80  }
0xf7: {  	_ =	swait.ge [sflag:s25], $0x80  }
0xf8: {  	[sflag:s25] =	ssyncset.done $0x0  }
0xf9: {  	[sflag:s25] =	ssyncadd.s32 $0xFFFFFF80  }
0xfa: {  	_ =	swait.ge [sflag:s25], $0x80  }
0xfb: {  	[sflag:s25] =	ssyncset.done $0x0  }
0xfc: {  	s13 =	simm.s32 $0x1780;
	[sflag:s25] =	ssyncadd.s32 $0xFFFFFF80  }
0xfd: {  	[tilespmem:s13], [sflag:$0x1] =	stream.indirect.gather [hbm4b:s3+s21], $0x1, s18, s21, $0xb8;
	[tilespmem:$0x6000] =	vst v63  }
0xfe: {  	s14 =	simm.s32 $0x1F80  }
0xff: {  	[tilespmem:s14], [sflag:$0x1] =	stream.indirect.gather [hbm4b:s4+s21], $0x1, s18, s21, $0xb8;
	[tilespmem:$0x6000] =	vst v63  }
0x100: {  	s15 =	simm.s32 $0x2780  }
0x101: {  	[tilespmem:s15], [sflag:$0x1] =	stream.indirect.gather [hbm4b:s5+s21], $0x1, s18, s21, $0xb8;
	[tilespmem:$0x6000] =	vst v63  }
0x102: {  	_ =	swait.ge [sflag:s25], $0x80  }
0x103: {  	[sflag:s25] =	ssyncset.done $0x0  }
0x104: {  	[sflag:s25] =	ssyncadd.s32 $0xFFFFFF80  }
0x105: {  	_ =	swait.ge [sflag:s25], $0x80  }
0x106: {  	[sflag:s25] =	ssyncset.done $0x0  }
0x107: {  	[sflag:s25] =	ssyncadd.s32 $0xFFFFFF80  }
0x108: {  	_ =	swait.ge [sflag:s25], $0x80  }
0x109: {  	[sflag:s25] =	ssyncset.done $0x0  }
0x10a: {  	s7 =	simm.s32 $0x0;
	[sflag:s25] =	ssyncadd.s32 $0xFFFFFF80  }
0x10b: {  	v0 =	vld [tilespmem:s7+$0x1000]  }
0x10c: {  	v1 =	vld [tilespmem:s7+$0x2800]  }
0x10d: {  	v2 =	vld [tilespmem:s7+$0x2000]  }
0x10e: {  	v3 =	vld [tilespmem:s7+$0x3800]  }
0x10f: {  	v4 =	vld [tilespmem:s7+$0x1800]  }
0x110: {  	v5 =	vld [tilespmem:s7+$0x3000];
	_ =	sdelay $0x2  }
0x111: {  	v0 =	vsub.f32 v0, v1  }
0x112: {  	v1 =	vsub.f32 v2, v3  }
0x113: {  	v2 =	vld [tilespmem:s7+$0x0];
	v3 =	vsub.f32 v4, v5;
	[tilespmem:s7+$0x4000] =	vst v0  }
0x114: {  	s8 =	simm.s32 $0x10;
	v4 =	vld [tilespmem:s7+$0x800];
	[tilespmem:s7+$0x5000] =	vst v1  }
0x115: {  	v5 =	vld [tilespmem:s8+$0x1000];
	[tilespmem:s7+$0x4800] =	vst v3  }
0x116: {  	v6 =	vld [tilespmem:s8+$0x2800]  }
0x117: {  	v0 =	vmul.f32 v0, v0;
	v1 =	vmul.f32 v1, v1;
	v7 =	vld [tilespmem:s8+$0x2000]  }
0x118: {  	v8 =	vld [tilespmem:s8+$0x3800]  }
0x119: {  	v9 =	vld [tilespmem:s8+$0x1800];
	v0 =	vadd.f32 v1, v0;
	v1 =	vmul.f32 v3, v3  }
0x11a: {  	v10 =	vld [tilespmem:s8+$0x3000]  }
0x11b: {  	v0 =	vadd.f32 v0, v1  }
0x11c: {  	vm0 =	veq.s32 v2, v4  }
0x11d: {  	v0 =	vsel vm0, $0x3F800000, v0;
	v5 =	vsub.f32 v5, v6  }
0x11e: {  	v3 =	vsub.f32 v7, v8;
	v7 =	vshra.s32 v0, $0x1  }
0x11f: {  	v2 =	vld [tilespmem:s8+$0x800];
	v1 =	vsub.f32 v9, v10;
	v7 =	vadd.s32 $0x1FBD1DF5, v7;
	[tilespmem:s8+$0x4000] =	vst v5  }
0x120: {  	s9 =	simm.s32 $0x20;
	v6 =	vld [tilespmem:s8+$0x0];
	[tilespmem:s8+$0x5000] =	vst v3;
	(erf) = vrcp.f32 v7  }
0x121: {  	v5 =	vmul.f32 v5, v5;
	v3 =	vmul.f32 v3, v3;
	v4 =	vld [tilespmem:s9+$0x1000];
	[tilespmem:s8+$0x4800] =	vst v1  }
0x122: {  	v8 =	vld [tilespmem:s9+$0x2800]  }
0x123: {  	v1 =	vmul.f32 v1, v1;
	v9 =	vld [tilespmem:s9+$0x2000];
	v3 =	vadd.f32 v3, v5  }
0x124: {  	v10 =	vld [tilespmem:s9+$0x3800]  }
0x125: {  	v11 =	vld [tilespmem:s9+$0x1800];
	v1 =	vadd.f32 v3, v1  }
0x126: {  	v5 =	vld [tilespmem:s9+$0x3000];
	vm1 =	veq.s32 v6, v2  }
0x127: {  	v1 =	vsel vm1, $0x3F800000, v1  }
0x128: {  	v4 =	vsub.f32 v4, v8;
	v8 =	vshra.s32 v1, $0x1  }
0x129: {  	v3 =	vsub.f32 v9, v10;
	v8 =	vadd.s32 $0x1FBD1DF5, v8  }
0x12a: {  	[tilespmem:s9+$0x4000] =	vst v4;
	v6 =	vpop (erf);
	(erf) = vrcp.f32 v8;
	v4 =	vmul.f32 v4, v4  }
0x12b: {  	v5 =	vsub.f32 v11, v5;
	[tilespmem:s9+$0x5000] =	vst v3;
	v3 =	vmul.f32 v3, v3;
	v6 =	vmul.f32 v6, v0  }
0x12c: {  	v2 =	vld [tilespmem:s9+$0x0]  }
0x12d: {  	v9 =	vld [tilespmem:s9+$0x800];
	v3 =	vadd.f32 v3, v4;
	v4 =	vmul.f32 v5, v5;
	v6 =	vadd.f32 v7, v6  }
0x12e: {  	s10 =	simm.s32 $0x30  }
0x12f: {  	v10 =	vld [tilespmem:s10+$0x1000];
	[tilespmem:s9+$0x4800] =	vst v5;
	v3 =	vadd.f32 v3, v4;
	v6 =	vmul.f32 $5.000000000e-01, v6  }
0x130: {  	v11 =	vld [tilespmem:s10+$0x2000]  }
0x131: {  	v12 =	vld [tilespmem:s10+$0x3800];
	(erf) = vrcp.f32 v6  }
0x132: {  	v7 =	vld [tilespmem:s10+$0x2800];
	vm2 =	veq.s32 v2, v9  }
0x133: {  	v2 =	vsel vm2, $0x3F800000, v3;
	v3 =	vpop (erf)  }
0x134: {  	v5 =	vld [tilespmem:s10+$0x1800];
	v3 =	vmul.f32 v3, v1  }
0x135: {  	v13 =	vld [tilespmem:s10+$0x3000]  }
0x136: {  	v3 =	vadd.f32 v8, v3  }
0x137: {  	v4 =	vsub.f32 v11, v12;
	v7 =	vsub.f32 v10, v7;
	v10 =	vshra.s32 v2, $0x1  }
0x138: {  	v10 =	vadd.s32 $0x1FBD1DF5, v10  }
0x139: {  	[tilespmem:s10+$0x5000] =	vst v4;
	v4 =	vmul.f32 v4, v4;
	(erf) = vrcp.f32 v10  }
0x13a: {  	v9 =	vld [tilespmem:s10+$0x0];
	v5 =	vsub.f32 v5, v13;
	[tilespmem:s10+$0x4000] =	vst v7;
	v7 =	vmul.f32 v7, v7;
	v12 =	vmul.f32 $5.000000000e-01, v3;
	v3 =	vpop (erf)  }
0x13b: {  	s11 =	simm.s32 $0x40;
	v11 =	vld [tilespmem:s10+$0x800];
	v3 =	vmul.f32 v3, v0  }
0x13c: {  	v8 =	vld [tilespmem:s11+$0x1000];
	[tilespmem:s10+$0x4800] =	vst v5;
	v4 =	vadd.f32 v4, v7;
	v5 =	vmul.f32 v5, v5  }
0x13d: {  	v13 =	vld [tilespmem:s11+$0x2800];
	(erf) = vrcp.f32 v12;
	v3 =	vadd.f32 v3, v6  }
0x13e: {  	v14 =	vld [tilespmem:s11+$0x2000];
	v4 =	vadd.f32 v4, v5  }
0x13f: {  	v15 =	vld [tilespmem:s11+$0x3800];
	v5 =	vmul.f32 $5.000000000e-01, v3  }
0x140: {  	v7 =	vld [tilespmem:s11+$0x3000]  }
0x141: {  	vm3 =	veq.s32 v9, v11;
	v6 =	vld [tilespmem:s11+$0x1800];
	(erf) = vrcp.f32 v5  }
0x142: {  	v3 =	vsel vm3, $0x3F800000, v4;
	v4 =	vpop (erf)  }
0x143: {  	v8 =	vsub.f32 v8, v13;
	v11 =	vshra.s32 v3, $0x1;
	v4 =	vmul.f32 v4, v2  }
0x144: {  	v9 =	vsub.f32 v14, v15;
	v11 =	vadd.s32 $0x1FBD1DF5, v11  }
0x145: {  	[tilespmem:s11+$0x4000] =	vst v8;
	(erf) = vrcp.f32 v11;
	v4 =	vadd.f32 v10, v4  }
0x146: {  	v13 =	vld [tilespmem:s11+$0x0];
	[tilespmem:s11+$0x5000] =	vst v9;
	v8 =	vmul.f32 v8, v8;
	v9 =	vmul.f32 v9, v9;
	v6 =	vsub.f32 v6, v7;
	v10 =	vpop (erf)  }
0x147: {  	s12 =	simm.s32 $0x50;
	vm0 =	vmmov vm0;
	v7 =	vld [tilespmem:s11+$0x800];
	v15 =	vmul.f32 $5.000000000e-01, v4;
	v4 =	vmul.f32 v10, v1  }
0x148: {  	vm0 =	vmmov vm0;
	v14 =	vld [tilespmem:s12+$0x1000];
	v9 =	vadd.f32 v9, v8;
	[tilespmem:s11+$0x4800] =	vst v6  }
0x149: {  	v6 =	vmul.f32 v6, v6;
	v10 =	vld [tilespmem:s12+$0x2800];
	(erf) = vrcp.f32 v15;
	v4 =	vadd.f32 v4, v12  }
0x14a: {  	vm0 =	vmmov vm0;
	v16 =	vld [tilespmem:s12+$0x3800];
	v17 =	vpop (erf)  }
0x14b: {  	v12 =	vld [tilespmem:s12+$0x2000];
	v8 =	vmul.f32 $5.000000000e-01, v4;
	v4 =	vadd.f32 v9, v6;
	v6 =	vmul.f32 v17, v0  }
0x14c: {  	vm0 =	vmmov vm0;
	vm4 =	veq.s32 v13, v7;
	v13 =	vld [tilespmem:s12+$0x3000]  }
0x14d: {  	v9 =	vld [tilespmem:s12+$0x1800];
	(erf) = vrcp.f32 v8;
	v4 =	vsel vm4, $0x3F800000, v4;
	v5 =	vadd.f32 v6, v5  }
0x14e: {  	vm1 =	vmmov vm1;
	v10 =	vsub.f32 v14, v10;
	v7 =	vpop (erf);
	v6 =	vshra.s32 v4, $0x1  }
0x14f: {  	v14 =	vmul.f32 v7, v3;
	v7 =	vadd.s32 $0x1FBD1DF5, v6;
	v5 =	vmul.f32 $5.000000000e-01, v5  }
0x150: {  	vm1 =	vmmov vm1;
	v12 =	vsub.f32 v12, v16;
	(erf) = vrcp.f32 v7  }
0x151: {  	vm1 =	vmmov vm1;
	[tilespmem:s12+$0x4000] =	vst v10;
	v6 =	vadd.f32 v11, v14;
	(erf) = vrcp.f32 v5  }
0x152: {  	v18 =	vld [tilespmem:s12+$0x800];
	[tilespmem:s12+$0x5000] =	vst v12;
	v9 =	vsub.f32 v9, v13;
	v12 =	vmul.f32 v12, v12;
	v11 =	vmul.f32 v10, v10;
	v10 =	vpop (erf)  }
0x153: {  	s13 =	simm.s32 $0x60;
	vm1 =	vmmov vm1;
	v17 =	vld [tilespmem:s12+$0x0];
	v6 =	vmul.f32 $5.000000000e-01, v6;
	v13 =	vmul.f32 v10, v2  }
0x154: {  	vm2 =	vmmov vm2;
	vm5 =	vmmov vm3;
	v10 =	vld [tilespmem:s13+$0x1000];
	v16 =	vadd.f32 v12, v11;
	[tilespmem:s12+$0x4800] =	vst v9  }
0x155: {  	v9 =	vmul.f32 v9, v9;
	v12 =	vld [tilespmem:s13+$0x2800];
	(erf) = vrcp.f32 v6;
	v13 =	vadd.f32 v13, v15  }
0x156: {  	vm2 =	vmmov vm2;
	vm5 =	vmmov vm5;
	vm3 =	vmmov vm0;
	v11 =	vld [tilespmem:s13+$0x2000];
	v15 =	vpop (erf)  }
0x157: {  	v14 =	vld [tilespmem:s13+$0x3800];
	v16 =	vadd.f32 v16, v9;
	v9 =	vmul.f32 $5.000000000e-01, v13;
	v15 =	vmul.f32 v15, v1  }
0x158: {  	s14 =	simm.s32 $0x1C0;
	vm0 =	vmmov vm2;
	vm4 =	vmmov vm4;
	vm2 =	veq.s32 v17, v18;
	v13 =	vld [tilespmem:s13+$0x1800]  }
.LBB2_2:
0x159: {  	p0 =	sne.s32 s14, $0x1FC0;
	v17 =	vld [tilespmem:s13+$0x3000];
	v16 =	vsel vm2, $0x3F800000, v16;
	v18 =	vpop (erf);
	(erf) = vrcp.f32 v9;
	v8 =	vadd.f32 v15, v8  }
0x15a: {  	v10 =	vsub.f32 v10, v12;
	v12 =	vshra.s32 v16, $0x1;
	v15 =	vmul.f32 v18, v4;
	v18 =	vpop (erf)  }
0x15b: {  	v12 =	vadd.s32 $0x1FBD1DF5, v12;
	v8 =	vmul.f32 $5.000000000e-01, v8;
	v18 =	vmul.f32 v18, v0;
	v0 =	vmovc v1;
	v1 =	vmovc v2  }
0x15c: {  	v2 =	vmovc v3;
	v11 =	vsub.f32 v11, v14;
	[tilespmem:s13+$0x4000] =	vst v10;
	(erf) = vrcp.f32 v12;
	v19 =	vadd.f32 v7, v15  }
0x15d: {  	v3 =	vmovc v4;
	v4 =	vmovc v16;
	v14 =	vmul.f32 v10, v10;
	(erf) = vrcp.f32 v8;
	v10 =	vadd.f32 v18, v5  }
0x15e: {  	v18 =	vld [tilespmem:s13+$0x0];
	v13 =	vsub.f32 v13, v17;
	v15 =	vmul.f32 v11, v11;
	[tilespmem:s13+$0x5000] =	vst v11;
	v11 =	vmul.f32 $5.000000000e-01, v19;
	v7 =	vpop (erf)  }
0x15f: {  	s15 =	sshra.s32 s14, $0x2;
	v5 =	vmovc v8;
	v17 =	vld [tilespmem:s13+$0x800];
	v16 =	vmul.f32 v7, v2;
	v20 =	vmul.f32 $5.000000000e-01, v10;
	v7 =	vmovc v12;
	v8 =	vmov v9  }
.Ltmp0:
0x160: {  	v10 =	vld [tilespmem:s15+$0x1000];
	v9 =	vadd.f32 v15, v14;
	v15 =	vmul.f32 v13, v13;
	[tilespmem:s13+$0x4800] =	vst v13;
	(pc) =	sbr.rel @p0 .LBB2_2-.Ltmp0, $4  }
0x161: {  	v12 =	vld [tilespmem:s15+$0x2800];
	(erf) = vrcp.f32 v11;
	v13 =	vadd.f32 v16, v6;
	v14 =	vsel vm3, $0x0, v20;
	v6 =	vmovc v11  }
0x162: {  	vm3 =	vmmov vm1;
	vm1 =	vmmov vm0;
	vm0 =	vmmov vm5;
	v11 =	vld [tilespmem:s15+$0x2000];
	v19 =	vpop (erf);
	[tilespmem:s7+$0x5800] =	vst v14;
	s7 =	smov.u32 s8;
	s8 =	smov.u32 s9;
	s9 =	smov.u32 s10  }
0x163: {  	v16 =	vadd.f32 v9, v15;
	s10 =	smov.u32 s11;
	s11 =	smov.u32 s12;
	s12 =	smov.u32 s13;
	v14 =	vld [tilespmem:s15+$0x3800];
	v9 =	vmul.f32 $5.000000000e-01, v13;
	v15 =	vmul.f32 v19, v1  }
0x164: {  	s14 =	sadd.s32 $0x40, s14;
	vm5 =	vmmov vm4;
	vm4 =	vmmov vm2;
	s13 =	smov.u32 s15;
	v13 =	vld [tilespmem:s15+$0x1800];
	vm2 =	veq.s32 v18, v17  }
0x165: {  	v17 =	vld [tilespmem:s13+$0x3000];
	_ =	sdelay $0x1  }
0x166: {  	v10 =	vsub.f32 v10, v12  }
0x167: {  	v11 =	vsub.f32 v11, v14  }
0x168: {  	v26 =	vld [tilespmem:s13+$0x0];
	v27 =	vsel vm2, $0x3F800000, v16;
	v28 =	vpop (erf);
	[tilespmem:s13+$0x4000] =	vst v10  }
0x169: {  	v29 =	vld [tilespmem:s13+$0x800];
	v18 =	vpop (erf);
	v10 =	vmul.f32 v10, v10;
	[tilespmem:s13+$0x5000] =	vst v11;
	v13 =	vsub.f32 v13, v17;
	v11 =	vmul.f32 v11, v11  }
0x16a: {  	v8 =	vadd.f32 v15, v8;
	v30 =	vshra.s32 v27, $0x1;
	v16 =	vmul.f32 v28, v4;
	v19 =	vpop (erf)  }
0x16b: {  	v19 =	vmul.f32 v19, v3;
	v10 =	vadd.f32 v11, v10;
	v31 =	vmul.f32 v13, v13  }
0x16c: {  	(erf) = vrcp.f32 v9;
	v15 =	vadd.s32 $0x1FBD1DF5, v30;
	v7 =	vadd.f32 v7, v16  }
0x16d: {  	v8 =	vmul.f32 $5.000000000e-01, v8;
	v6 =	vadd.f32 v19, v6;
	v10 =	vadd.f32 v10, v31  }
0x16e: {  	(erf) = vrcp.f32 v15;
	v7 =	vmul.f32 $5.000000000e-01, v7;
	vm6 =	veq.s32 v26, v29  }
0x16f: {  	(erf) = vrcp.f32 v8;
	v6 =	vmul.f32 $5.000000000e-01, v6;
	v10 =	vsel vm6, $0x3F800000, v10  }
0x170: {  	(erf) = vrcp.f32 v7;
	v32 =	vshra.s32 v10, $0x1  }
0x171: {  	(erf) = vrcp.f32 v6;
	v11 =	vadd.s32 $0x1FBD1DF5, v32  }
0x172: {  	(erf) = vrcp.f32 v11;
	_ =	sdelay $0x3  }
0x173: {  	v33 =	vpop (erf)  }
0x174: {  	v34 =	vpop (erf)  }
0x175: {  	v12 =	vmul.f32 v33, v2;
	v35 =	vpop (erf)  }
0x176: {  	v16 =	vmul.f32 v34, v27;
	v36 =	vpop (erf)  }
0x177: {  	v37 =	vadd.f32 v12, v9;
	v38 =	vmul.f32 v36, v4;
	v39 =	vpop (erf)  }
0x178: {  	v15 =	vadd.f32 v15, v16;
	v40 =	vmul.f32 v39, v3;
	v41 =	vpop (erf)  }
0x179: {  	v9 =	vmul.f32 $5.000000000e-01, v37;
	v7 =	vadd.f32 v38, v7;
	v42 =	vmul.f32 v41, v10  }
0x17a: {  	v15 =	vmul.f32 $5.000000000e-01, v15;
	v6 =	vadd.f32 v40, v6  }
0x17b: {  	(erf) = vrcp.f32 v9;
	v7 =	vmul.f32 $5.000000000e-01, v7;
	v11 =	vadd.f32 v11, v42  }
0x17c: {  	(erf) = vrcp.f32 v15;
	v6 =	vmul.f32 $5.000000000e-01, v6  }
0x17d: {  	(erf) = vrcp.f32 v7;
	v11 =	vmul.f32 $5.000000000e-01, v11  }
0x17e: {  	(erf) = vrcp.f32 v6  }
0x17f: {  	(erf) = vrcp.f32 v11;
	_ =	sdelay $0x4  }
0x180: {  	v43 =	vpop (erf)  }
0x181: {  	v44 =	vpop (erf)  }
0x182: {  	v45 =	vpop (erf)  }
0x183: {  	v16 =	vmul.f32 v44, v27;
	v20 =	vpop (erf)  }
0x184: {  	v19 =	vmul.f32 v45, v4;
	v21 =	vpop (erf)  }
0x185: {  	v15 =	vadd.f32 v16, v15;
	v46 =	vmul.f32 v21, v10  }
0x186: {  	v7 =	vadd.f32 v19, v7  }
0x187: {  	v15 =	vmul.f32 $5.000000000e-01, v15;
	v11 =	vadd.f32 v46, v11  }
0x188: {  	v7 =	vmul.f32 $5.000000000e-01, v7  }
0x189: {  	(erf) = vrcp.f32 v15;
	v11 =	vmul.f32 $5.000000000e-01, v11  }
0x18a: {  	(erf) = vrcp.f32 v7  }
0x18b: {  	(erf) = vrcp.f32 v11;
	_ =	sdelay $0x6  }
0x18c: {  	v47 =	vpop (erf)  }
0x18d: {  	v48 =	vpop (erf)  }
0x18e: {  	v16 =	vmul.f32 v47, v27;
	v49 =	vpop (erf)  }
0x18f: {  	v21 =	vmul.f32 v49, v10  }
0x190: {  	v15 =	vadd.f32 v16, v15  }
0x191: {  	v11 =	vadd.f32 v21, v11  }
0x192: {  	v50 =	vmul.f32 $5.000000000e-01, v15  }
0x193: {  	v11 =	vmul.f32 $5.000000000e-01, v11  }
0x194: {  	vm1 =	vmmov vm1;
	(erf) = vrcp.f32 v50  }
0x195: {  	vm0 =	vmmov vm0;
	vm11 =	vmmov vm5;
	(erf) = vrcp.f32 v11  }
0x196: {  	vm4 =	vmmov vm4;
	vm12 =	vmmov vm2;
	vm0 =	vmmov vm0  }
0x197: {  	vm13 =	vmmov vm11;
	vm2 =	vmmov vm12;
	v0 =	vmul.f32 v18, v0  }
0x198: {  	vm14 =	vmmov vm4;
	vm7 =	vmmov vm13;
	vm2 =	vmmov vm2  }
0x199: {  	vm8 =	vmmov vm14;
	vm11 =	vmmov vm2;
	v0 =	vadd.f32 v0, v5  }
0x19a: {  	vm10 =	vmmov vm8;
	vm13 =	vmmov vm11;
	v1 =	vmul.f32 v35, v1  }
0x19b: {  	v0 =	vmul.f32 $5.000000000e-01, v0;
	vm15 =	vmmov vm6;
	v51 =	vmul.f32 v43, v2  }
0x19c: {  	vm9 =	vmmov vm15;
	v1 =	vadd.f32 v1, v8;
	v52 =	vmul.f32 v20, v3  }
0x19d: {  	v0 =	vsel vm3, $0x0, v0;
	v2 =	vadd.f32 v51, v9;
	v53 =	vmul.f32 v48, v4;
	v54 =	vpop (erf)  }
0x19e: {  	v1 =	vmul.f32 $5.000000000e-01, v1;
	v3 =	vadd.f32 v52, v6;
	v6 =	vmul.f32 v54, v27;
	v55 =	vpop (erf)  }
0x19f: {  	[tilespmem:s13+$0x4800] =	vst v13;
	v2 =	vmul.f32 $5.000000000e-01, v2;
	v4 =	vadd.f32 v53, v7;
	v7 =	vmul.f32 v55, v10  }
0x1a0: {  	[tilespmem:s7+$0x5800] =	vst v0;
	v1 =	vsel vm1, $0x0, v1;
	v3 =	vmul.f32 $5.000000000e-01, v3;
	v58 =	vadd.f32 v6, v50  }
0x1a1: {  	[tilespmem:s8+$0x5800] =	vst v1;
	v2 =	vsel vm0, $0x0, v2;
	v57 =	vmul.f32 $5.000000000e-01, v4;
	v59 =	vadd.f32 v7, v11  }
0x1a2: {  	vm12 =	vmmov vm9;
	[tilespmem:s9+$0x5800] =	vst v2;
	v56 =	vsel vm7, $0x0, v3;
	v61 =	vmul.f32 $5.000000000e-01, v58  }
0x1a3: {  	vm14 =	vmmov vm12;
	[tilespmem:s10+$0x5800] =	vst v56;
	v60 =	vsel vm10, $0x0, v57;
	v62 =	vmul.f32 $5.000000000e-01, v59  }
0x1a4: {  	vm15 =	vmmov vm14;
	[tilespmem:s11+$0x5800] =	vst v60;
	v63 =	vsel vm13, $0x0, v61  }
0x1a5: {  	[tilespmem:s12+$0x5800] =	vst v63;
	v0 =	vsel vm15, $0x0, v62  }
0x1a6: {  	s14 =	rddreg [dreg:$0x9];
	s15 =	simm.s32 $0x4000;
	[tilespmem:s13+$0x5800] =	vst v0  }
0x1a7: {  	[hbm4b:s14+s1] =	stream.linear.scatter [tilespmem:s15], [sflag:$0x2], $0x800, $0x38;
	[tilespmem:$0x6000] =	vst v63  }
0x1a8: {  	_ =	swait.ge [sflag:s16], $0x800  }
0x1a9: {  	[sflag:s16] =	ssyncset.done $0x0  }
0x1aa: {  	s10 =	simm.s32 $0x4800;
	s9 =	rddreg [dreg:$0xa];
	[sflag:s16] =	ssyncadd.s32 $0xFFFFF800  }
0x1ab: {  	[hbm4b:s9+s1] =	stream.linear.scatter [tilespmem:s10], [sflag:$0x2], $0x800, $0x38;
	[tilespmem:$0x6000] =	vst v63  }
0x1ac: {  	_ =	swait.ge [sflag:s16], $0x800  }
0x1ad: {  	[sflag:s16] =	ssyncset.done $0x0  }
0x1ae: {  	s12 =	simm.s32 $0x5000;
	s11 =	rddreg [dreg:$0xb];
	[sflag:s16] =	ssyncadd.s32 $0xFFFFF800  }
0x1af: {  	[hbm4b:s11+s1] =	stream.linear.scatter [tilespmem:s12], [sflag:$0x2], $0x800, $0x38;
	[tilespmem:$0x6000] =	vst v63  }
0x1b0: {  	_ =	swait.ge [sflag:s16], $0x800  }
0x1b1: {  	[sflag:s16] =	ssyncset.done $0x0  }
0x1b2: {  	s14 =	simm.s32 $0x5800;
	s13 =	rddreg [dreg:$0xc];
	[sflag:s16] =	ssyncadd.s32 $0xFFFFF800  }
0x1b3: {  	[hbm4b:s13+s1] =	stream.linear.scatter [tilespmem:s14], [sflag:$0x2], $0x800, $0x38;
	[tilespmem:$0x6000] =	vst v63  }
0x1b4: {  	_ =	swait.ge [sflag:s16], $0x800  }
0x1b5: {  	s6 =	sadd.s32 $0x1, s6;
	s15 =	rddreg [dreg:$0xd]  }
0x1b6: {  	p0 =	sne.s32 s6, s15  }
.Ltmp1:
0x1b7: {  	_ = 	snop;
	(pc) =	sbr.rel @p0 .LBB2_1-.Ltmp1, $3  }
0x1b8: {  	_ =	sdelay $0x1  }
0x1b9: {  	[sflag:s16] =	ssyncset.done $0x0  }
0x1ba: {  	[sflag:s16] =	ssyncadd.s32 $0xFFFFF800  }
0x1bb: {  	_ =	sfence.sel $0x180000  }
0x1bc: {  	[bflag:$0x0] =	sbarrier.arrive $0xFFFF  }
0x1bd: {  	_ =	strace $0x90000047  }
0x1be: {  	s0 =	stileid.u32;
	[bflag:$0x2] =	sbarrier.arrive $0xFFFF  }
0x1bf: {  	p0 =	sne.s32 s0, $0x0;
	s0 =	rddreg [dreg:$0x3]  }
0x1c0: {  	s0 =	sadd.s32 @!p0 $0x100000, s0  }
0x1c1: {  	[sflag:s0] =	ssyncadd.tile.s32 @!p0 $0x1;
	_ =	shalt  }
.Lfunc_end2:
_tile_overlayer_lowered:
.L_overlay_start_2:
0x1c2: {  	(tag) =	ssettag $0x2  }
0x1c3: {  	s0 =	rddreg [dreg:$0x0];
	s2 =	stileid.u32  }
0x1c4: {  	s1 =	rddreg [dreg:$0x1];
	p0 =	sne.s32 s2, $0x0  }
0x1c5: {  	s3 =	rddreg [dreg:$0x2];
	[bflag:$0x3] =	sbarrier.arrive $0xFFFF;
	s2 =	simm.s32 @!p0 $0x1C02  }
0x1c6: {  	[timem:s3], [sflag:s2] =	dma.local @!p0 [hbm:s0], s1  }
0x1c7: {  	s0 =	simm.s32 @!p0 $0x2  }
0x1c8: {  	_ =	swait.ge @!p0 [sflag:s0], s1  }
0x1c9: {  	s1 =	ssub.s32 @!p0 $0x0, s1;
	[sflag:s0] =	ssyncset.done @!p0 $0x0  }
0x1ca: {  	[sflag:s0] =	ssyncadd.s32 @!p0 s1  }
0x1cb: {  	[bflag:$0x3] =	sbarrier.arrive $0xFFFF  }
0x1cc: {  	_ =	shalt  }

</sc_bundles>
